<compile_context>
chip_gen: v7x
topology: tpu7x:2x2x1
jax: 0.10.2.dev20260603
libtpu: 0.0.44.dev20260713+nightly
codegen_flags: <defaults>
</compile_context>

<pallas_src>
import functools

import jax
import jax.numpy as jnp
from jax import lax
from jax.experimental import pallas as pl
from jax.experimental.pallas import tpu as pltpu
from jax.experimental.pallas import tpu_sc as plsc

_N = 10000
_D = 128
_H = 16
_E = 320000
_NC = 2
_NS = 16
_NW = _NC * _NS
_L = 16
_CHUNK = 125
_NCHUNK = 80
_NACC = 10240
_RPT = _NACC // _NS

_f32 = jnp.float32



def _make_segsum():
    mesh = plsc.VectorSubcoreMesh(
        core_axis_name="c", subcore_axis_name="s",
        num_cores=_NC, num_subcores=_NS)

    @functools.partial(
        pl.kernel,
        out_type=jax.ShapeDtypeStruct((_NC, _NACC, _L), _f32),
        mesh=mesh,
        scratch_types=[
            pltpu.VMEM((_NCHUNK, _CHUNK), jnp.int32),
            pltpu.VMEM((_NCHUNK, _CHUNK), jnp.int32),
            pltpu.VMEM((4, _CHUNK, _L), _f32),
            pltpu.VMEM((_RPT, _L), _f32),
            pltpu.VMEM_SHARED((_NACC, _L), _f32),
            pltpu.SemaphoreType.DMA,
            pltpu.SemaphoreType.DMA,
            pltpu.SemaphoreType.DMA,
            pltpu.SemaphoreType.DMA,
            pltpu.SemaphoreType.DMA,
            pltpu.SemaphoreType.DMA,
            pltpu.SemaphoreType.DMA,
            pltpu.SemaphoreType.DMA,
        ],
        compiler_params=pltpu.CompilerParams(use_tc_tiling_on_sc=False),
    )
    def segsum(p_hbm, ei_hbm, out_hbm,
               src_v, dst_v, ring_v, zero_v, acc_sh,
               g0, g1, g2, g3, s0, s1, s2, s3):
        gsem = (g0, g1, g2, g3)
        ssem = (s0, s1, s2, s3)
        cid = lax.axis_index("c")
        sid = lax.axis_index("s")
        wid = cid * _NS + sid
        row0 = sid * _RPT

        def zbody(i, carry):
            zero_v[i] = jnp.zeros((_L,), _f32)
            return carry

        lax.fori_loop(0, _RPT, zbody, 0)
        pltpu.sync_copy(zero_v, acc_sh.at[pl.ds(row0, _RPT)])
        pltpu.sync_copy(ei_hbm.at[0, wid], src_v)
        pltpu.sync_copy(ei_hbm.at[1, wid], dst_v)
        plsc.subcore_barrier()

        def _gather(c, b):
            pltpu.async_copy(p_hbm.at[src_v.at[c]], ring_v.at[b], gsem[b])

        def _gwait(c, b):
            pltpu.make_async_copy(p_hbm.at[src_v.at[c]], ring_v.at[b],
                                  gsem[b]).wait()

        def _scat(c, b):
            pltpu.async_copy(ring_v.at[b], acc_sh.at[dst_v.at[c]], ssem[b],
                             add=True)

        def _swait(c, b):
            pltpu.make_async_copy(ring_v.at[b], acc_sh.at[dst_v.at[c]],
                                  ssem[b]).wait()

        _gather(0, 0)
        _gather(1, 1)
        _ngrp = _NCHUNK // 4

        def body(g, carry):
            c0 = 4 * g
            for b in range(4):
                c = c0 + b
                pb = (b + 2) % 4
                if b < 2:
                    @pl.when(g >= 1)
                    def _(c=c, pb=pb):
                        _swait(c - 2, pb)
                    _gather(c + 2, pb)
                else:
                    _swait(c - 2, pb)

                    @pl.when(g < _ngrp - 1)
                    def _(c=c, pb=pb):
                        _gather(c + 2, pb)
                _gwait(c, b)
                _scat(c, b)
            return carry

        lax.fori_loop(0, _ngrp, body, 0)
        _swait(_NCHUNK - 2, 2)
        _swait(_NCHUNK - 1, 3)
        plsc.subcore_barrier()
        pltpu.sync_copy(acc_sh.at[pl.ds(row0, _RPT)],
                        out_hbm.at[cid, pl.ds(row0, _RPT)])

    return segsum


_segsum = _make_segsum()




_NP = _N // 8
_NACCP = _NACC // 8


def _tc1_body(x_ref, wrel_ref, wroot_ref, b_ref, p_ref, r_ref):
    x = x_ref[...]
    p_ref[...] = jnp.dot(x, wrel_ref[...], preferred_element_type=_f32)
    r_ref[...] = jnp.dot(x, wroot_ref[...],
                         preferred_element_type=_f32) + b_ref[...]


def _tc2_body(part_ref, r1_ref, wrel_ref, wroot_ref, b_ref, p2_ref, r2_ref):
    agg = part_ref[0, 0:_NP, :] + part_ref[1, 0:_NP, :]
    h = jnp.maximum(agg + r1_ref[...], 0.0)
    p2_ref[...] = jnp.dot(h, wrel_ref[...], preferred_element_type=_f32)
    r2_ref[...] = jnp.dot(h, wroot_ref[...],
                          preferred_element_type=_f32) + b_ref[...]


def _tc3_body(part_ref, r2_ref, gsum_ref, o_ref):
    z = part_ref[0, 0:_NP, :] + part_ref[1, 0:_NP, :] + r2_ref[...]
    zg = jnp.reshape(z, (_NP, 8, _H))
    m = jnp.max(zg, axis=2, keepdims=True)
    mp = jnp.reshape(jnp.broadcast_to(m, (_NP, 8, _H)), (_NP, 128))
    zm = z - mp
    e = jnp.exp(zm)
    s = jnp.dot(e, gsum_ref[...], preferred_element_type=_f32)
    o_ref[...] = zm - jnp.log(s)


_tc1 = pl.pallas_call(
    _tc1_body,
    out_shape=(jax.ShapeDtypeStruct((_NP, 128), _f32),
               jax.ShapeDtypeStruct((_NP, 128), _f32)))

_tc2 = pl.pallas_call(
    _tc2_body,
    out_shape=(jax.ShapeDtypeStruct((_NP, 128), _f32),
               jax.ShapeDtypeStruct((_NP, 128), _f32)))

_tc3 = pl.pallas_call(
    _tc3_body,
    out_shape=jax.ShapeDtypeStruct((_NP, 128), _f32))



def _blockdiag8(w):
    k, m = w.shape
    eye = jnp.eye(8, dtype=w.dtype)
    return (eye[:, None, :, None] * w[None, :, None, :]).reshape(8 * k, 8 * m)


def kernel(x, edge_index, W1_rel, b1, W1_root, W2_rel, b2, W2_root):
    ei = edge_index.reshape(2, _NW, _NCHUNK, _CHUNK)
    x8 = x.reshape(_NP, 8 * _D)

    p1p, r1p = _tc1(x8, _blockdiag8(W1_rel), _blockdiag8(W1_root),
                    jnp.tile(b1, 8).reshape(1, 128))
    part1 = _segsum(p1p.reshape(_N, _H), ei)
    p2p, r2p = _tc2(part1.reshape(_NC, _NACCP, 128), r1p,
                    _blockdiag8(W2_rel), _blockdiag8(W2_root),
                    jnp.tile(b2, 8).reshape(1, 128))
    part2 = _segsum(p2p.reshape(_N, _H), ei)
    gsum = _blockdiag8(jnp.ones((_H, _H), _f32))
    outp = _tc3(part2.reshape(_NC, _NACCP, 128), r2p, gsum)
    return outp.reshape(_N, _H)

# --- scband reference (transcript-rebuilt; emitter-appended) ---
"""Pipeline reference for scband-net-6253472383030 (READ-ONLY COPY).

The authoritative reference and input builder live on the scoring server;
editing this copy changes nothing except your own understanding.
"""

import jax, jax.numpy as jnp
import numpy as np

N_NODES = 10000
D_FEAT = 128
HIDDEN = 16
N_CLASSES = 16
N_EDGES = 320000


def graph_conv(x, edge_index, W_rel, b_rel, W_root):
    # PyG GraphConv: out = lin_rel(aggr_add(x_j)) + lin_root(x)
    src = edge_index[0]
    dst = edge_index[1]
    msgs = x[src]  # gather source node features per edge
    agg = jax.ops.segment_sum(msgs, dst, num_segments=x.shape[0])
    return agg @ W_rel + b_rel + x @ W_root


def setup_inputs(seed: int = 0) -> dict:
    key = jax.random.key(seed)
    ks = jax.random.split(key, 8)
    x = jax.random.normal(ks[0], (N_NODES, D_FEAT), dtype=jnp.float32)
    edge_index = jax.random.randint(ks[1], (2, N_EDGES), 0, N_NODES, dtype=jnp.int32)
    W1_rel = jax.random.normal(ks[2], (D_FEAT, HIDDEN), dtype=jnp.float32) / np.sqrt(D_FEAT)
    b1 = jnp.zeros((HIDDEN,), dtype=jnp.float32)
    W1_root = jax.random.normal(ks[3], (D_FEAT, HIDDEN), dtype=jnp.float32) / np.sqrt(D_FEAT)
    W2_rel = jax.random.normal(ks[4], (HIDDEN, N_CLASSES), dtype=jnp.float32) / np.sqrt(HIDDEN)
    b2 = jnp.zeros((N_CLASSES,), dtype=jnp.float32)
    W2_root = jax.random.normal(ks[5], (HIDDEN, N_CLASSES), dtype=jnp.float32) / np.sqrt(HIDDEN)
    return {
        "x": x,
        "edge_index": edge_index,
        "W1_rel": W1_rel,
        "b1": b1,
        "W1_root": W1_root,
        "W2_rel": W2_rel,
        "b2": b2,
        "W2_root": W2_root,
    }


def reference(x, edge_index, W1_rel, b1, W1_root, W2_rel, b2, W2_root):
    h = graph_conv(x, edge_index, W1_rel, b1, W1_root)
    h = jax.nn.relu(h)
    # F.dropout with training=False (eval mode) is identity
    h = graph_conv(h, edge_index, W2_rel, b2, W2_root)
    return jax.nn.log_softmax(h, axis=1)

if __name__ == "__main__":
    import jax
    _d = setup_inputs()
    print(jax.jit(kernel)(*tuple(_d.values())))

</pallas_src>

<mosaic_0001>
#map = affine_map<(d0, d1) -> (0, 0)>
#map1 = affine_map<(d0, d1) -> (0, 0, 0, 0)>
#map2 = affine_map<(d0, d1) -> (0, 0, 0)>
module attributes {stable_mosaic.version = 14 : i64} {
  func.func @segsum(%arg0: i32, %arg1: i32, %arg2: memref<10000x16xf32, #tpu.memory_space<hbm>>, %arg3: memref<2x32x80x125xi32, #tpu.memory_space<hbm>>, %arg4: memref<2x10240x16xf32, #tpu.memory_space<hbm>>, %arg5: memref<80x125xi32, #tpu.memory_space<vmem>>, %arg6: memref<80x125xi32, #tpu.memory_space<vmem>>, %arg7: memref<4x125x16xf32, #tpu.memory_space<vmem>>, %arg8: memref<640x16xf32, #tpu.memory_space<vmem>>, %arg9: memref<10240x16xf32, #tpu.memory_space<vmem_shared>>, %arg10: memref<!tpu.dma_semaphore, #tpu.memory_space<semaphore_mem>>, %arg11: memref<!tpu.dma_semaphore, #tpu.memory_space<semaphore_mem>>, %arg12: memref<!tpu.dma_semaphore, #tpu.memory_space<semaphore_mem>>, %arg13: memref<!tpu.dma_semaphore, #tpu.memory_space<semaphore_mem>>, %arg14: memref<!tpu.dma_semaphore, #tpu.memory_space<semaphore_mem>>, %arg15: memref<!tpu.dma_semaphore, #tpu.memory_space<semaphore_mem>>, %arg16: memref<!tpu.dma_semaphore, #tpu.memory_space<semaphore_mem>>, %arg17: memref<!tpu.dma_semaphore, #tpu.memory_space<semaphore_mem>>) attributes {dimension_semantics = [#tpu.dimension_semantics<core_parallel>, #tpu.dimension_semantics<subcore_parallel>], iteration_bounds = array<i64: 2, 16>, scalar_prefetch = 0 : i64, scratch_operands = 13 : i64, tpu.core_type = #tpu.core_type<sc_vector_subcore>, window_params = [{transform_indices = #map}, {transform_indices = #map1}, {transform_indices = #map2}]} {
    %mul3A = arith.constant 16 : i32
    %mul3A_0 = arith.muli %arg0, %mul3A : i32
    %add3A = arith.addi %mul3A_0, %arg1 : i32
    %mul3A_1 = arith.constant 640 : i32
    %mul3A_2 = arith.muli %arg1, %mul3A_1 : i32
    %scan3A = arith.constant 0 : i32
    %scan3A_3 = arith.constant 0 : i32
    %scan3A_4 = arith.constant 640 : i32
    %scan3A_5 = arith.addi %scan3A_3, %scan3A_4 : i32
    %scan3A_6 = arith.constant 1 : i32
    scf.for %scan3A_62 = %scan3A_3 to %scan3A_5 step %scan3A_6  : i32 {
      %broadcast_in_dim3A = arith.constant 0.000000e+00 : f32
      %broadcast_in_dim3A_63 = vector.broadcast %broadcast_in_dim3A : f32 to vector<16xf32>
      %swap3A = arith.index_cast %scan3A_62 : i32 to index
      %swap3A_64 = arith.constant 0 : index
      %swap3A_65 = tpu.vector_load %arg8[%swap3A, %swap3A_64] {strides = array<i32>} : memref<640x16xf32, #tpu.memory_space<vmem>>, vector<1x16xf32>,
      %swap3A_66 = vector.shape_cast %swap3A_65 : vector<1x16xf32> to vector<16xf32>
      %swap3A_67 = vector.shape_cast %broadcast_in_dim3A_63 : vector<16xf32> to vector<1x16xf32>
      tpu.vector_store %arg8[%swap3A, %swap3A_64], %swap3A_67 {strides = array<i32>} : memref<640x16xf32, #tpu.memory_space<vmem>>, vector<1x16xf32>,
    }
    %scan3A_7 = arith.constant 640 : i32
    "tpu.region"() ({
      %run_scoped3A_62 = tpu.sem_alloc : memref<!tpu.dma_semaphore, #tpu.memory_space<semaphore_mem>>
      %dma_start3A_63 = arith.constant 0 : i32
      %dma_start3A_64 = tpu.memref_slice %arg9[%mul3A_2, %dma_start3A_63] : memref<10240x16xf32, #tpu.memory_space<vmem_shared>> -> memref<640x16xf32, #tpu.memory_space<vmem_shared>>
      %dma_start3A_65 = arith.constant 0 : i32
      %dma_start3A_66 = tpu.memref_slice %arg9[%mul3A_2, %dma_start3A_65] : memref<10240x16xf32, #tpu.memory_space<vmem_shared>> -> memref<640x16xf32, #tpu.memory_space<vmem_shared>>
      tpu.enqueue_dma source(%arg8 : memref<640x16xf32, #tpu.memory_space<vmem>>) target(%dma_start3A_66 : memref<640x16xf32, #tpu.memory_space<vmem_shared>>) target_semaphore(%run_scoped3A_62 : memref<!tpu.dma_semaphore, #tpu.memory_space<semaphore_mem>>)
      %dma_wait3A_67 = arith.constant 0 : i32
      %dma_wait3A_68 = tpu.memref_slice %arg9[%mul3A_2, %dma_wait3A_67] : memref<10240x16xf32, #tpu.memory_space<vmem_shared>> -> memref<640x16xf32, #tpu.memory_space<vmem_shared>>
      %dma_wait3A_69 = arith.constant 0 : i32
      %dma_wait3A_70 = tpu.memref_slice %arg9[%mul3A_2, %dma_wait3A_69] : memref<10240x16xf32, #tpu.memory_space<vmem_shared>> -> memref<640x16xf32, #tpu.memory_space<vmem_shared>>
      tpu.wait_dma2 semaphore(%run_scoped3A_62 : memref<!tpu.dma_semaphore, #tpu.memory_space<semaphore_mem>>) src(%arg8 : memref<640x16xf32, #tpu.memory_space<vmem>>) dst(%dma_wait3A_70 : memref<640x16xf32, #tpu.memory_space<vmem_shared>>)
      tpu.yield
    }) : () -> ()
    %run_scoped3A = arith.constant 0 : i32
    "tpu.region"() ({
      %run_scoped3A_62 = tpu.sem_alloc : memref<!tpu.dma_semaphore, #tpu.memory_space<semaphore_mem>>
      %dma_start3A_63 = arith.constant 0 : i32
      %dma_start3A_64 = arith.constant 0 : i32
      %dma_start3A_65 = tpu.memref_slice %arg3[%run_scoped3A, %add3A, %dma_start3A_63, %dma_start3A_64] : memref<2x32x80x125xi32, #tpu.memory_space<hbm>> -> memref<1x1x80x125xi32, #tpu.memory_space<hbm>>
      %dma_start3A_66 = tpu.memref_squeeze %dma_start3A_65 : memref<1x1x80x125xi32, #tpu.memory_space<hbm>> -> memref<80x125xi32, #tpu.memory_space<hbm>>
      %dma_start3A_67 = arith.constant 0 : i32
      %dma_start3A_68 = arith.constant 0 : i32
      %dma_start3A_69 = tpu.memref_slice %arg3[%run_scoped3A, %add3A, %dma_start3A_67, %dma_start3A_68] : memref<2x32x80x125xi32, #tpu.memory_space<hbm>> -> memref<1x1x80x125xi32, #tpu.memory_space<hbm>>
      %dma_start3A_70 = tpu.memref_squeeze %dma_start3A_69 : memref<1x1x80x125xi32, #tpu.memory_space<hbm>> -> memref<80x125xi32, #tpu.memory_space<hbm>>
      tpu.enqueue_dma source(%dma_start3A_70 : memref<80x125xi32, #tpu.memory_space<hbm>>) target(%arg5 : memref<80x125xi32, #tpu.memory_space<vmem>>) target_semaphore(%run_scoped3A_62 : memref<!tpu.dma_semaphore, #tpu.memory_space<semaphore_mem>>)
      %dma_wait3A_71 = arith.constant 0 : i32
      %dma_wait3A_72 = arith.constant 0 : i32
      %dma_wait3A_73 = tpu.memref_slice %arg3[%run_scoped3A, %add3A, %dma_wait3A_71, %dma_wait3A_72] : memref<2x32x80x125xi32, #tpu.memory_space<hbm>> -> memref<1x1x80x125xi32, #tpu.memory_space<hbm>>
      %dma_wait3A_74 = tpu.memref_squeeze %dma_wait3A_73 : memref<1x1x80x125xi32, #tpu.memory_space<hbm>> -> memref<80x125xi32, #tpu.memory_space<hbm>>
      %dma_wait3A_75 = arith.constant 0 : i32
      %dma_wait3A_76 = arith.constant 0 : i32
      %dma_wait3A_77 = tpu.memref_slice %arg3[%run_scoped3A, %add3A, %dma_wait3A_75, %dma_wait3A_76] : memref<2x32x80x125xi32, #tpu.memory_space<hbm>> -> memref<1x1x80x125xi32, #tpu.memory_space<hbm>>
      %dma_wait3A_78 = tpu.memref_squeeze %dma_wait3A_77 : memref<1x1x80x125xi32, #tpu.memory_space<hbm>> -> memref<80x125xi32, #tpu.memory_space<hbm>>
      tpu.wait_dma2 semaphore(%run_scoped3A_62 : memref<!tpu.dma_semaphore, #tpu.memory_space<semaphore_mem>>) src(%dma_wait3A_78 : memref<80x125xi32, #tpu.memory_space<hbm>>) dst(%arg5 : memref<80x125xi32, #tpu.memory_space<vmem>>)
      tpu.yield
    }) : () -> ()
    %run_scoped3A_8 = arith.constant 1 : i32
    "tpu.region"() ({
      %run_scoped3A_62 = tpu.sem_alloc : memref<!tpu.dma_semaphore, #tpu.memory_space<semaphore_mem>>
      %dma_start3A_63 = arith.constant 0 : i32
      %dma_start3A_64 = arith.constant 0 : i32
      %dma_start3A_65 = tpu.memref_slice %arg3[%run_scoped3A_8, %add3A, %dma_start3A_63, %dma_start3A_64] : memref<2x32x80x125xi32, #tpu.memory_space<hbm>> -> memref<1x1x80x125xi32, #tpu.memory_space<hbm>>
      %dma_start3A_66 = tpu.memref_squeeze %dma_start3A_65 : memref<1x1x80x125xi32, #tpu.memory_space<hbm>> -> memref<80x125xi32, #tpu.memory_space<hbm>>
      %dma_start3A_67 = arith.constant 0 : i32
      %dma_start3A_68 = arith.constant 0 : i32
      %dma_start3A_69 = tpu.memref_slice %arg3[%run_scoped3A_8, %add3A, %dma_start3A_67, %dma_start3A_68] : memref<2x32x80x125xi32, #tpu.memory_space<hbm>> -> memref<1x1x80x125xi32, #tpu.memory_space<hbm>>
      %dma_start3A_70 = tpu.memref_squeeze %dma_start3A_69 : memref<1x1x80x125xi32, #tpu.memory_space<hbm>> -> memref<80x125xi32, #tpu.memory_space<hbm>>
      tpu.enqueue_dma source(%dma_start3A_70 : memref<80x125xi32, #tpu.memory_space<hbm>>) target(%arg6 : memref<80x125xi32, #tpu.memory_space<vmem>>) target_semaphore(%run_scoped3A_62 : memref<!tpu.dma_semaphore, #tpu.memory_space<semaphore_mem>>)
      %dma_wait3A_71 = arith.constant 0 : i32
      %dma_wait3A_72 = arith.constant 0 : i32
      %dma_wait3A_73 = tpu.memref_slice %arg3[%run_scoped3A_8, %add3A, %dma_wait3A_71, %dma_wait3A_72] : memref<2x32x80x125xi32, #tpu.memory_space<hbm>> -> memref<1x1x80x125xi32, #tpu.memory_space<hbm>>
      %dma_wait3A_74 = tpu.memref_squeeze %dma_wait3A_73 : memref<1x1x80x125xi32, #tpu.memory_space<hbm>> -> memref<80x125xi32, #tpu.memory_space<hbm>>
      %dma_wait3A_75 = arith.constant 0 : i32
      %dma_wait3A_76 = arith.constant 0 : i32
      %dma_wait3A_77 = tpu.memref_slice %arg3[%run_scoped3A_8, %add3A, %dma_wait3A_75, %dma_wait3A_76] : memref<2x32x80x125xi32, #tpu.memory_space<hbm>> -> memref<1x1x80x125xi32, #tpu.memory_space<hbm>>
      %dma_wait3A_78 = tpu.memref_squeeze %dma_wait3A_77 : memref<1x1x80x125xi32, #tpu.memory_space<hbm>> -> memref<80x125xi32, #tpu.memory_space<hbm>>
      tpu.wait_dma2 semaphore(%run_scoped3A_62 : memref<!tpu.dma_semaphore, #tpu.memory_space<semaphore_mem>>) src(%dma_wait3A_78 : memref<80x125xi32, #tpu.memory_space<hbm>>) dst(%arg6 : memref<80x125xi32, #tpu.memory_space<vmem>>)
      tpu.yield
    }) : () -> ()
    %barrier3A = arith.constant 0 : index
    tpu.barrier barrier_id(%barrier3A)
    %dma_start3A = arith.constant 0 : i32
    %dma_start3A_9 = arith.constant 0 : i32
    %dma_start3A_10 = arith.constant 0 : i32
    %dma_start3A_11 = arith.constant 0 : i32
    %dma_start3A_12 = tpu.memref_slice %arg7[%dma_start3A_9, %dma_start3A_10, %dma_start3A_11] : memref<4x125x16xf32, #tpu.memory_space<vmem>> -> memref<1x125x16xf32, #tpu.memory_space<vmem>>
    %dma_start3A_13 = tpu.memref_squeeze %dma_start3A_12 : memref<1x125x16xf32, #tpu.memory_space<vmem>> -> memref<125x16xf32, #tpu.memory_space<vmem>>
    %dma_start3A_14 = arith.constant 0 : i32
    %dma_start3A_15 = tpu.memref_slice %arg5[%dma_start3A, %dma_start3A_14] : memref<80x125xi32, #tpu.memory_space<vmem>> -> memref<1x125xi32, #tpu.memory_space<vmem>>
    %dma_start3A_16 = tpu.memref_squeeze %dma_start3A_15 : memref<1x125xi32, #tpu.memory_space<vmem>> -> memref<125xi32, #tpu.memory_space<vmem>>
    %dma_start3A_17 = arith.constant 0 : i32
    %dma_start3A_18 = arith.constant 0 : i32
    %dma_start3A_19 = tpu.memref_slice %arg2[%dma_start3A_17, %dma_start3A_18] : memref<10000x16xf32, #tpu.memory_space<hbm>> -> memref<10000x16xf32, #tpu.memory_space<hbm>>
    tpu.enqueue_indirect_dma source(%dma_start3A_19 : memref<10000x16xf32, #tpu.memory_space<hbm>>) target(%dma_start3A_13 : memref<125x16xf32, #tpu.memory_space<vmem>>) offsets(%dma_start3A_16 : memref<125xi32, #tpu.memory_space<vmem>>) semaphore(%arg10 : memref<!tpu.dma_semaphore, #tpu.memory_space<semaphore_mem>>)
    %dma_start3A_20 = arith.constant 1 : i32
    %dma_start3A_21 = arith.constant 1 : i32
    %dma_start3A_22 = arith.constant 0 : i32
    %dma_start3A_23 = arith.constant 0 : i32
    %dma_start3A_24 = tpu.memref_slice %arg7[%dma_start3A_21, %dma_start3A_22, %dma_start3A_23] : memref<4x125x16xf32, #tpu.memory_space<vmem>> -> memref<1x125x16xf32, #tpu.memory_space<vmem>>
    %dma_start3A_25 = tpu.memref_squeeze %dma_start3A_24 : memref<1x125x16xf32, #tpu.memory_space<vmem>> -> memref<125x16xf32, #tpu.memory_space<vmem>>
    %dma_start3A_26 = arith.constant 0 : i32
    %dma_start3A_27 = tpu.memref_slice %arg5[%dma_start3A_20, %dma_start3A_26] : memref<80x125xi32, #tpu.memory_space<vmem>> -> memref<1x125xi32, #tpu.memory_space<vmem>>
    %dma_start3A_28 = tpu.memref_squeeze %dma_start3A_27 : memref<1x125xi32, #tpu.memory_space<vmem>> -> memref<125xi32, #tpu.memory_space<vmem>>
    %dma_start3A_29 = arith.constant 0 : i32
    %dma_start3A_30 = arith.constant 0 : i32
    %dma_start3A_31 = tpu.memref_slice %arg2[%dma_start3A_29, %dma_start3A_30] : memref<10000x16xf32, #tpu.memory_space<hbm>> -> memref<10000x16xf32, #tpu.memory_space<hbm>>
    tpu.enqueue_indirect_dma source(%dma_start3A_31 : memref<10000x16xf32, #tpu.memory_space<hbm>>) target(%dma_start3A_25 : memref<125x16xf32, #tpu.memory_space<vmem>>) offsets(%dma_start3A_28 : memref<125xi32, #tpu.memory_space<vmem>>) semaphore(%arg11 : memref<!tpu.dma_semaphore, #tpu.memory_space<semaphore_mem>>)
    %scan3A_32 = arith.constant 0 : i32
    %scan3A_33 = arith.constant 0 : i32
    %scan3A_34 = arith.constant 20 : i32
    %scan3A_35 = arith.addi %scan3A_33, %scan3A_34 : i32
    %scan3A_36 = arith.constant 1 : i32
    scf.for %scan3A_62 = %scan3A_33 to %scan3A_35 step %scan3A_36  : i32 {
      %mul3A_63 = arith.constant 4 : i32
      %mul3A_64 = arith.muli %mul3A_63, %scan3A_62 : i32
      %add3A_65 = arith.constant 0 : i32
      %add3A_66 = arith.addi %mul3A_64, %add3A_65 : i32
      %ge3A = arith.constant 1 : i32
      %ge3A_67 = arith.cmpi sge, %scan3A_62, %ge3A : i32
      %convert_element_type3A = arith.extui %ge3A_67 : i1 to i32
      %cond3A = arith.constant 0 : i32
      %cond3A_68 = arith.cmpi ne, %convert_element_type3A, %cond3A : i32
      scf.if %cond3A_68 {
        %sub3A_228 = arith.constant 2 : i32
        %sub3A_229 = arith.subi %add3A_66, %sub3A_228 : i32
        %dma_wait3A_230 = arith.constant 2 : i32
        %dma_wait3A_231 = arith.constant 0 : i32
        %dma_wait3A_232 = arith.constant 0 : i32
        %dma_wait3A_233 = tpu.memref_slice %arg7[%dma_wait3A_230, %dma_wait3A_231, %dma_wait3A_232] : memref<4x125x16xf32, #tpu.memory_space<vmem>> -> memref<1x125x16xf32, #tpu.memory_space<vmem>>
        %dma_wait3A_234 = tpu.memref_squeeze %dma_wait3A_233 : memref<1x125x16xf32, #tpu.memory_space<vmem>> -> memref<125x16xf32, #tpu.memory_space<vmem>>
        %dma_wait3A_235 = arith.constant 0 : i32
        %dma_wait3A_236 = tpu.memref_slice %arg6[%sub3A_229, %dma_wait3A_235] : memref<80x125xi32, #tpu.memory_space<vmem>> -> memref<1x125xi32, #tpu.memory_space<vmem>>
        %dma_wait3A_237 = tpu.memref_squeeze %dma_wait3A_236 : memref<1x125xi32, #tpu.memory_space<vmem>> -> memref<125xi32, #tpu.memory_space<vmem>>
        %dma_wait3A_238 = arith.constant 0 : i32
        %dma_wait3A_239 = arith.constant 0 : i32
        %dma_wait3A_240 = tpu.memref_slice %arg9[%dma_wait3A_238, %dma_wait3A_239] : memref<10240x16xf32, #tpu.memory_space<vmem_shared>> -> memref<10240x16xf32, #tpu.memory_space<vmem_shared>>
        tpu.wait_indirect_dma semaphore(%arg16 : memref<!tpu.dma_semaphore, #tpu.memory_space<semaphore_mem>>) src(%dma_wait3A_234 : memref<125x16xf32, #tpu.memory_space<vmem>>) dst(%dma_wait3A_240 : memref<10240x16xf32, #tpu.memory_space<vmem_shared>>)
      } else {
      }
      %add3A_69 = arith.constant 2 : i32
      %add3A_70 = arith.addi %add3A_66, %add3A_69 : i32
      %dma_start3A_71 = arith.constant 2 : i32
      %dma_start3A_72 = arith.constant 0 : i32
      %dma_start3A_73 = arith.constant 0 : i32
      %dma_start3A_74 = tpu.memref_slice %arg7[%dma_start3A_71, %dma_start3A_72, %dma_start3A_73] : memref<4x125x16xf32, #tpu.memory_space<vmem>> -> memref<1x125x16xf32, #tpu.memory_space<vmem>>
      %dma_start3A_75 = tpu.memref_squeeze %dma_start3A_74 : memref<1x125x16xf32, #tpu.memory_space<vmem>> -> memref<125x16xf32, #tpu.memory_space<vmem>>
      %dma_start3A_76 = arith.constant 0 : i32
      %dma_start3A_77 = tpu.memref_slice %arg5[%add3A_70, %dma_start3A_76] : memref<80x125xi32, #tpu.memory_space<vmem>> -> memref<1x125xi32, #tpu.memory_space<vmem>>
      %dma_start3A_78 = tpu.memref_squeeze %dma_start3A_77 : memref<1x125xi32, #tpu.memory_space<vmem>> -> memref<125xi32, #tpu.memory_space<vmem>>
      %dma_start3A_79 = arith.constant 0 : i32
      %dma_start3A_80 = arith.constant 0 : i32
      %dma_start3A_81 = tpu.memref_slice %arg2[%dma_start3A_79, %dma_start3A_80] : memref<10000x16xf32, #tpu.memory_space<hbm>> -> memref<10000x16xf32, #tpu.memory_space<hbm>>
      tpu.enqueue_indirect_dma source(%dma_start3A_81 : memref<10000x16xf32, #tpu.memory_space<hbm>>) target(%dma_start3A_75 : memref<125x16xf32, #tpu.memory_space<vmem>>) offsets(%dma_start3A_78 : memref<125xi32, #tpu.memory_space<vmem>>) semaphore(%arg12 : memref<!tpu.dma_semaphore, #tpu.memory_space<semaphore_mem>>)
      %dma_wait3A_82 = arith.constant 0 : i32
      %dma_wait3A_83 = arith.constant 0 : i32
      %dma_wait3A_84 = arith.constant 0 : i32
      %dma_wait3A_85 = tpu.memref_slice %arg7[%dma_wait3A_82, %dma_wait3A_83, %dma_wait3A_84] : memref<4x125x16xf32, #tpu.memory_space<vmem>> -> memref<1x125x16xf32, #tpu.memory_space<vmem>>
      %dma_wait3A_86 = tpu.memref_squeeze %dma_wait3A_85 : memref<1x125x16xf32, #tpu.memory_space<vmem>> -> memref<125x16xf32, #tpu.memory_space<vmem>>
      %dma_wait3A_87 = arith.constant 0 : i32
      %dma_wait3A_88 = tpu.memref_slice %arg5[%add3A_66, %dma_wait3A_87] : memref<80x125xi32, #tpu.memory_space<vmem>> -> memref<1x125xi32, #tpu.memory_space<vmem>>
      %dma_wait3A_89 = tpu.memref_squeeze %dma_wait3A_88 : memref<1x125xi32, #tpu.memory_space<vmem>> -> memref<125xi32, #tpu.memory_space<vmem>>
      %dma_wait3A_90 = arith.constant 0 : i32
      %dma_wait3A_91 = arith.constant 0 : i32
      %dma_wait3A_92 = tpu.memref_slice %arg2[%dma_wait3A_90, %dma_wait3A_91] : memref<10000x16xf32, #tpu.memory_space<hbm>> -> memref<10000x16xf32, #tpu.memory_space<hbm>>
      tpu.wait_indirect_dma semaphore(%arg10 : memref<!tpu.dma_semaphore, #tpu.memory_space<semaphore_mem>>) src(%dma_wait3A_92 : memref<10000x16xf32, #tpu.memory_space<hbm>>) dst(%dma_wait3A_86 : memref<125x16xf32, #tpu.memory_space<vmem>>)
      %dma_start3A_93 = arith.constant 0 : i32
      %dma_start3A_94 = arith.constant 0 : i32
      %dma_start3A_95 = arith.constant 0 : i32
      %dma_start3A_96 = tpu.memref_slice %arg7[%dma_start3A_93, %dma_start3A_94, %dma_start3A_95] : memref<4x125x16xf32, #tpu.memory_space<vmem>> -> memref<1x125x16xf32, #tpu.memory_space<vmem>>
      %dma_start3A_97 = tpu.memref_squeeze %dma_start3A_96 : memref<1x125x16xf32, #tpu.memory_space<vmem>> -> memref<125x16xf32, #tpu.memory_space<vmem>>
      %dma_start3A_98 = arith.constant 0 : i32
      %dma_start3A_99 = tpu.memref_slice %arg6[%add3A_66, %dma_start3A_98] : memref<80x125xi32, #tpu.memory_space<vmem>> -> memref<1x125xi32, #tpu.memory_space<vmem>>
      %dma_start3A_100 = tpu.memref_squeeze %dma_start3A_99 : memref<1x125xi32, #tpu.memory_space<vmem>> -> memref<125xi32, #tpu.memory_space<vmem>>
      %dma_start3A_101 = arith.constant 0 : i32
      %dma_start3A_102 = arith.constant 0 : i32
      %dma_start3A_103 = tpu.memref_slice %arg9[%dma_start3A_101, %dma_start3A_102] : memref<10240x16xf32, #tpu.memory_space<vmem_shared>> -> memref<10240x16xf32, #tpu.memory_space<vmem_shared>>
      tpu.enqueue_indirect_dma source(%dma_start3A_97 : memref<125x16xf32, #tpu.memory_space<vmem>>) target(%dma_start3A_103 : memref<10240x16xf32, #tpu.memory_space<vmem_shared>>) offsets(%dma_start3A_100 : memref<125xi32, #tpu.memory_space<vmem>>) semaphore(%arg14 : memref<!tpu.dma_semaphore, #tpu.memory_space<semaphore_mem>>) {add = true}
      %add3A_104 = arith.constant 1 : i32
      %add3A_105 = arith.addi %mul3A_64, %add3A_104 : i32
      %ge3A_106 = arith.constant 1 : i32
      %ge3A_107 = arith.cmpi sge, %scan3A_62, %ge3A_106 : i32
      %convert_element_type3A_108 = arith.extui %ge3A_107 : i1 to i32
      %cond3A_109 = arith.constant 0 : i32
      %cond3A_110 = arith.cmpi ne, %convert_element_type3A_108, %cond3A_109 : i32
      scf.if %cond3A_110 {
        %sub3A_228 = arith.constant 2 : i32
        %sub3A_229 = arith.subi %add3A_105, %sub3A_228 : i32
        %dma_wait3A_230 = arith.constant 3 : i32
        %dma_wait3A_231 = arith.constant 0 : i32
        %dma_wait3A_232 = arith.constant 0 : i32
        %dma_wait3A_233 = tpu.memref_slice %arg7[%dma_wait3A_230, %dma_wait3A_231, %dma_wait3A_232] : memref<4x125x16xf32, #tpu.memory_space<vmem>> -> memref<1x125x16xf32, #tpu.memory_space<vmem>>
        %dma_wait3A_234 = tpu.memref_squeeze %dma_wait3A_233 : memref<1x125x16xf32, #tpu.memory_space<vmem>> -> memref<125x16xf32, #tpu.memory_space<vmem>>
        %dma_wait3A_235 = arith.constant 0 : i32
        %dma_wait3A_236 = tpu.memref_slice %arg6[%sub3A_229, %dma_wait3A_235] : memref<80x125xi32, #tpu.memory_space<vmem>> -> memref<1x125xi32, #tpu.memory_space<vmem>>
        %dma_wait3A_237 = tpu.memref_squeeze %dma_wait3A_236 : memref<1x125xi32, #tpu.memory_space<vmem>> -> memref<125xi32, #tpu.memory_space<vmem>>
        %dma_wait3A_238 = arith.constant 0 : i32
        %dma_wait3A_239 = arith.constant 0 : i32
        %dma_wait3A_240 = tpu.memref_slice %arg9[%dma_wait3A_238, %dma_wait3A_239] : memref<10240x16xf32, #tpu.memory_space<vmem_shared>> -> memref<10240x16xf32, #tpu.memory_space<vmem_shared>>
        tpu.wait_indirect_dma semaphore(%arg17 : memref<!tpu.dma_semaphore, #tpu.memory_space<semaphore_mem>>) src(%dma_wait3A_234 : memref<125x16xf32, #tpu.memory_space<vmem>>) dst(%dma_wait3A_240 : memref<10240x16xf32, #tpu.memory_space<vmem_shared>>)
      } else {
      }
      %add3A_111 = arith.constant 2 : i32
      %add3A_112 = arith.addi %add3A_105, %add3A_111 : i32
      %dma_start3A_113 = arith.constant 3 : i32
      %dma_start3A_114 = arith.constant 0 : i32
      %dma_start3A_115 = arith.constant 0 : i32
      %dma_start3A_116 = tpu.memref_slice %arg7[%dma_start3A_113, %dma_start3A_114, %dma_start3A_115] : memref<4x125x16xf32, #tpu.memory_space<vmem>> -> memref<1x125x16xf32, #tpu.memory_space<vmem>>
      %dma_start3A_117 = tpu.memref_squeeze %dma_start3A_116 : memref<1x125x16xf32, #tpu.memory_space<vmem>> -> memref<125x16xf32, #tpu.memory_space<vmem>>
      %dma_start3A_118 = arith.constant 0 : i32
      %dma_start3A_119 = tpu.memref_slice %arg5[%add3A_112, %dma_start3A_118] : memref<80x125xi32, #tpu.memory_space<vmem>> -> memref<1x125xi32, #tpu.memory_space<vmem>>
      %dma_start3A_120 = tpu.memref_squeeze %dma_start3A_119 : memref<1x125xi32, #tpu.memory_space<vmem>> -> memref<125xi32, #tpu.memory_space<vmem>>
      %dma_start3A_121 = arith.constant 0 : i32
      %dma_start3A_122 = arith.constant 0 : i32
      %dma_start3A_123 = tpu.memref_slice %arg2[%dma_start3A_121, %dma_start3A_122] : memref<10000x16xf32, #tpu.memory_space<hbm>> -> memref<10000x16xf32, #tpu.memory_space<hbm>>
      tpu.enqueue_indirect_dma source(%dma_start3A_123 : memref<10000x16xf32, #tpu.memory_space<hbm>>) target(%dma_start3A_117 : memref<125x16xf32, #tpu.memory_space<vmem>>) offsets(%dma_start3A_120 : memref<125xi32, #tpu.memory_space<vmem>>) semaphore(%arg13 : memref<!tpu.dma_semaphore, #tpu.memory_space<semaphore_mem>>)
      %dma_wait3A_124 = arith.constant 1 : i32
      %dma_wait3A_125 = arith.constant 0 : i32
      %dma_wait3A_126 = arith.constant 0 : i32
      %dma_wait3A_127 = tpu.memref_slice %arg7[%dma_wait3A_124, %dma_wait3A_125, %dma_wait3A_126] : memref<4x125x16xf32, #tpu.memory_space<vmem>> -> memref<1x125x16xf32, #tpu.memory_space<vmem>>
      %dma_wait3A_128 = tpu.memref_squeeze %dma_wait3A_127 : memref<1x125x16xf32, #tpu.memory_space<vmem>> -> memref<125x16xf32, #tpu.memory_space<vmem>>
      %dma_wait3A_129 = arith.constant 0 : i32
      %dma_wait3A_130 = tpu.memref_slice %arg5[%add3A_105, %dma_wait3A_129] : memref<80x125xi32, #tpu.memory_space<vmem>> -> memref<1x125xi32, #tpu.memory_space<vmem>>
      %dma_wait3A_131 = tpu.memref_squeeze %dma_wait3A_130 : memref<1x125xi32, #tpu.memory_space<vmem>> -> memref<125xi32, #tpu.memory_space<vmem>>
      %dma_wait3A_132 = arith.constant 0 : i32
      %dma_wait3A_133 = arith.constant 0 : i32
      %dma_wait3A_134 = tpu.memref_slice %arg2[%dma_wait3A_132, %dma_wait3A_133] : memref<10000x16xf32, #tpu.memory_space<hbm>> -> memref<10000x16xf32, #tpu.memory_space<hbm>>
      tpu.wait_indirect_dma semaphore(%arg11 : memref<!tpu.dma_semaphore, #tpu.memory_space<semaphore_mem>>) src(%dma_wait3A_134 : memref<10000x16xf32, #tpu.memory_space<hbm>>) dst(%dma_wait3A_128 : memref<125x16xf32, #tpu.memory_space<vmem>>)
      %dma_start3A_135 = arith.constant 1 : i32
      %dma_start3A_136 = arith.constant 0 : i32
      %dma_start3A_137 = arith.constant 0 : i32
      %dma_start3A_138 = tpu.memref_slice %arg7[%dma_start3A_135, %dma_start3A_136, %dma_start3A_137] : memref<4x125x16xf32, #tpu.memory_space<vmem>> -> memref<1x125x16xf32, #tpu.memory_space<vmem>>
      %dma_start3A_139 = tpu.memref_squeeze %dma_start3A_138 : memref<1x125x16xf32, #tpu.memory_space<vmem>> -> memref<125x16xf32, #tpu.memory_space<vmem>>
      %dma_start3A_140 = arith.constant 0 : i32
      %dma_start3A_141 = tpu.memref_slice %arg6[%add3A_105, %dma_start3A_140] : memref<80x125xi32, #tpu.memory_space<vmem>> -> memref<1x125xi32, #tpu.memory_space<vmem>>
      %dma_start3A_142 = tpu.memref_squeeze %dma_start3A_141 : memref<1x125xi32, #tpu.memory_space<vmem>> -> memref<125xi32, #tpu.memory_space<vmem>>
      %dma_start3A_143 = arith.constant 0 : i32
      %dma_start3A_144 = arith.constant 0 : i32
      %dma_start3A_145 = tpu.memref_slice %arg9[%dma_start3A_143, %dma_start3A_144] : memref<10240x16xf32, #tpu.memory_space<vmem_shared>> -> memref<10240x16xf32, #tpu.memory_space<vmem_shared>>
      tpu.enqueue_indirect_dma source(%dma_start3A_139 : memref<125x16xf32, #tpu.memory_space<vmem>>) target(%dma_start3A_145 : memref<10240x16xf32, #tpu.memory_space<vmem_shared>>) offsets(%dma_start3A_142 : memref<125xi32, #tpu.memory_space<vmem>>) semaphore(%arg15 : memref<!tpu.dma_semaphore, #tpu.memory_space<semaphore_mem>>) {add = true}
      %add3A_146 = arith.constant 2 : i32
      %add3A_147 = arith.addi %mul3A_64, %add3A_146 : i32
      %sub3A = arith.constant 2 : i32
      %sub3A_148 = arith.subi %add3A_147, %sub3A : i32
      %dma_wait3A_149 = arith.constant 0 : i32
      %dma_wait3A_150 = arith.constant 0 : i32
      %dma_wait3A_151 = arith.constant 0 : i32
      %dma_wait3A_152 = tpu.memref_slice %arg7[%dma_wait3A_149, %dma_wait3A_150, %dma_wait3A_151] : memref<4x125x16xf32, #tpu.memory_space<vmem>> -> memref<1x125x16xf32, #tpu.memory_space<vmem>>
      %dma_wait3A_153 = tpu.memref_squeeze %dma_wait3A_152 : memref<1x125x16xf32, #tpu.memory_space<vmem>> -> memref<125x16xf32, #tpu.memory_space<vmem>>
      %dma_wait3A_154 = arith.constant 0 : i32
      %dma_wait3A_155 = tpu.memref_slice %arg6[%sub3A_148, %dma_wait3A_154] : memref<80x125xi32, #tpu.memory_space<vmem>> -> memref<1x125xi32, #tpu.memory_space<vmem>>
      %dma_wait3A_156 = tpu.memref_squeeze %dma_wait3A_155 : memref<1x125xi32, #tpu.memory_space<vmem>> -> memref<125xi32, #tpu.memory_space<vmem>>
      %dma_wait3A_157 = arith.constant 0 : i32
      %dma_wait3A_158 = arith.constant 0 : i32
      %dma_wait3A_159 = tpu.memref_slice %arg9[%dma_wait3A_157, %dma_wait3A_158] : memref<10240x16xf32, #tpu.memory_space<vmem_shared>> -> memref<10240x16xf32, #tpu.memory_space<vmem_shared>>
      tpu.wait_indirect_dma semaphore(%arg14 : memref<!tpu.dma_semaphore, #tpu.memory_space<semaphore_mem>>) src(%dma_wait3A_153 : memref<125x16xf32, #tpu.memory_space<vmem>>) dst(%dma_wait3A_159 : memref<10240x16xf32, #tpu.memory_space<vmem_shared>>)
      %lt3A = arith.constant 19 : i32
      %lt3A_160 = arith.cmpi slt, %scan3A_62, %lt3A : i32
      %convert_element_type3A_161 = arith.extui %lt3A_160 : i1 to i32
      %cond3A_162 = arith.constant 0 : i32
      %cond3A_163 = arith.cmpi ne, %convert_element_type3A_161, %cond3A_162 : i32
      scf.if %cond3A_163 {
        %add3A_228 = arith.constant 2 : i32
        %add3A_229 = arith.addi %add3A_147, %add3A_228 : i32
        %dma_start3A_230 = arith.constant 0 : i32
        %dma_start3A_231 = arith.constant 0 : i32
        %dma_start3A_232 = arith.constant 0 : i32
        %dma_start3A_233 = tpu.memref_slice %arg7[%dma_start3A_230, %dma_start3A_231, %dma_start3A_232] : memref<4x125x16xf32, #tpu.memory_space<vmem>> -> memref<1x125x16xf32, #tpu.memory_space<vmem>>
        %dma_start3A_234 = tpu.memref_squeeze %dma_start3A_233 : memref<1x125x16xf32, #tpu.memory_space<vmem>> -> memref<125x16xf32, #tpu.memory_space<vmem>>
        %dma_start3A_235 = arith.constant 0 : i32
        %dma_start3A_236 = tpu.memref_slice %arg5[%add3A_229, %dma_start3A_235] : memref<80x125xi32, #tpu.memory_space<vmem>> -> memref<1x125xi32, #tpu.memory_space<vmem>>
        %dma_start3A_237 = tpu.memref_squeeze %dma_start3A_236 : memref<1x125xi32, #tpu.memory_space<vmem>> -> memref<125xi32, #tpu.memory_space<vmem>>
        %dma_start3A_238 = arith.constant 0 : i32
        %dma_start3A_239 = arith.constant 0 : i32
        %dma_start3A_240 = tpu.memref_slice %arg2[%dma_start3A_238, %dma_start3A_239] : memref<10000x16xf32, #tpu.memory_space<hbm>> -> memref<10000x16xf32, #tpu.memory_space<hbm>>
        tpu.enqueue_indirect_dma source(%dma_start3A_240 : memref<10000x16xf32, #tpu.memory_space<hbm>>) target(%dma_start3A_234 : memref<125x16xf32, #tpu.memory_space<vmem>>) offsets(%dma_start3A_237 : memref<125xi32, #tpu.memory_space<vmem>>) semaphore(%arg10 : memref<!tpu.dma_semaphore, #tpu.memory_space<semaphore_mem>>)
      } else {
      }
      %dma_wait3A_164 = arith.constant 2 : i32
      %dma_wait3A_165 = arith.constant 0 : i32
      %dma_wait3A_166 = arith.constant 0 : i32
      %dma_wait3A_167 = tpu.memref_slice %arg7[%dma_wait3A_164, %dma_wait3A_165, %dma_wait3A_166] : memref<4x125x16xf32, #tpu.memory_space<vmem>> -> memref<1x125x16xf32, #tpu.memory_space<vmem>>
      %dma_wait3A_168 = tpu.memref_squeeze %dma_wait3A_167 : memref<1x125x16xf32, #tpu.memory_space<vmem>> -> memref<125x16xf32, #tpu.memory_space<vmem>>
      %dma_wait3A_169 = arith.constant 0 : i32
      %dma_wait3A_170 = tpu.memref_slice %arg5[%add3A_147, %dma_wait3A_169] : memref<80x125xi32, #tpu.memory_space<vmem>> -> memref<1x125xi32, #tpu.memory_space<vmem>>
      %dma_wait3A_171 = tpu.memref_squeeze %dma_wait3A_170 : memref<1x125xi32, #tpu.memory_space<vmem>> -> memref<125xi32, #tpu.memory_space<vmem>>
      %dma_wait3A_172 = arith.constant 0 : i32
      %dma_wait3A_173 = arith.constant 0 : i32
      %dma_wait3A_174 = tpu.memref_slice %arg2[%dma_wait3A_172, %dma_wait3A_173] : memref<10000x16xf32, #tpu.memory_space<hbm>> -> memref<10000x16xf32, #tpu.memory_space<hbm>>
      tpu.wait_indirect_dma semaphore(%arg12 : memref<!tpu.dma_semaphore, #tpu.memory_space<semaphore_mem>>) src(%dma_wait3A_174 : memref<10000x16xf32, #tpu.memory_space<hbm>>) dst(%dma_wait3A_168 : memref<125x16xf32, #tpu.memory_space<vmem>>)
      %dma_start3A_175 = arith.constant 2 : i32
      %dma_start3A_176 = arith.constant 0 : i32
      %dma_start3A_177 = arith.constant 0 : i32
      %dma_start3A_178 = tpu.memref_slice %arg7[%dma_start3A_175, %dma_start3A_176, %dma_start3A_177] : memref<4x125x16xf32, #tpu.memory_space<vmem>> -> memref<1x125x16xf32, #tpu.memory_space<vmem>>
      %dma_start3A_179 = tpu.memref_squeeze %dma_start3A_178 : memref<1x125x16xf32, #tpu.memory_space<vmem>> -> memref<125x16xf32, #tpu.memory_space<vmem>>
      %dma_start3A_180 = arith.constant 0 : i32
      %dma_start3A_181 = tpu.memref_slice %arg6[%add3A_147, %dma_start3A_180] : memref<80x125xi32, #tpu.memory_space<vmem>> -> memref<1x125xi32, #tpu.memory_space<vmem>>
      %dma_start3A_182 = tpu.memref_squeeze %dma_start3A_181 : memref<1x125xi32, #tpu.memory_space<vmem>> -> memref<125xi32, #tpu.memory_space<vmem>>
      %dma_start3A_183 = arith.constant 0 : i32
      %dma_start3A_184 = arith.constant 0 : i32
      %dma_start3A_185 = tpu.memref_slice %arg9[%dma_start3A_183, %dma_start3A_184] : memref<10240x16xf32, #tpu.memory_space<vmem_shared>> -> memref<10240x16xf32, #tpu.memory_space<vmem_shared>>
      tpu.enqueue_indirect_dma source(%dma_start3A_179 : memref<125x16xf32, #tpu.memory_space<vmem>>) target(%dma_start3A_185 : memref<10240x16xf32, #tpu.memory_space<vmem_shared>>) offsets(%dma_start3A_182 : memref<125xi32, #tpu.memory_space<vmem>>) semaphore(%arg16 : memref<!tpu.dma_semaphore, #tpu.memory_space<semaphore_mem>>) {add = true}
      %add3A_186 = arith.constant 3 : i32
      %add3A_187 = arith.addi %mul3A_64, %add3A_186 : i32
      %sub3A_188 = arith.constant 2 : i32
      %sub3A_189 = arith.subi %add3A_187, %sub3A_188 : i32
      %dma_wait3A_190 = arith.constant 1 : i32
      %dma_wait3A_191 = arith.constant 0 : i32
      %dma_wait3A_192 = arith.constant 0 : i32
      %dma_wait3A_193 = tpu.memref_slice %arg7[%dma_wait3A_190, %dma_wait3A_191, %dma_wait3A_192] : memref<4x125x16xf32, #tpu.memory_space<vmem>> -> memref<1x125x16xf32, #tpu.memory_space<vmem>>
      %dma_wait3A_194 = tpu.memref_squeeze %dma_wait3A_193 : memref<1x125x16xf32, #tpu.memory_space<vmem>> -> memref<125x16xf32, #tpu.memory_space<vmem>>
      %dma_wait3A_195 = arith.constant 0 : i32
      %dma_wait3A_196 = tpu.memref_slice %arg6[%sub3A_189, %dma_wait3A_195] : memref<80x125xi32, #tpu.memory_space<vmem>> -> memref<1x125xi32, #tpu.memory_space<vmem>>
      %dma_wait3A_197 = tpu.memref_squeeze %dma_wait3A_196 : memref<1x125xi32, #tpu.memory_space<vmem>> -> memref<125xi32, #tpu.memory_space<vmem>>
      %dma_wait3A_198 = arith.constant 0 : i32
      %dma_wait3A_199 = arith.constant 0 : i32
      %dma_wait3A_200 = tpu.memref_slice %arg9[%dma_wait3A_198, %dma_wait3A_199] : memref<10240x16xf32, #tpu.memory_space<vmem_shared>> -> memref<10240x16xf32, #tpu.memory_space<vmem_shared>>
      tpu.wait_indirect_dma semaphore(%arg15 : memref<!tpu.dma_semaphore, #tpu.memory_space<semaphore_mem>>) src(%dma_wait3A_194 : memref<125x16xf32, #tpu.memory_space<vmem>>) dst(%dma_wait3A_200 : memref<10240x16xf32, #tpu.memory_space<vmem_shared>>)
      %lt3A_201 = arith.constant 19 : i32
      %lt3A_202 = arith.cmpi slt, %scan3A_62, %lt3A_201 : i32
      %convert_element_type3A_203 = arith.extui %lt3A_202 : i1 to i32
      %cond3A_204 = arith.constant 0 : i32
      %cond3A_205 = arith.cmpi ne, %convert_element_type3A_203, %cond3A_204 : i32
      scf.if %cond3A_205 {
        %add3A_228 = arith.constant 2 : i32
        %add3A_229 = arith.addi %add3A_187, %add3A_228 : i32
        %dma_start3A_230 = arith.constant 1 : i32
        %dma_start3A_231 = arith.constant 0 : i32
        %dma_start3A_232 = arith.constant 0 : i32
        %dma_start3A_233 = tpu.memref_slice %arg7[%dma_start3A_230, %dma_start3A_231, %dma_start3A_232] : memref<4x125x16xf32, #tpu.memory_space<vmem>> -> memref<1x125x16xf32, #tpu.memory_space<vmem>>
        %dma_start3A_234 = tpu.memref_squeeze %dma_start3A_233 : memref<1x125x16xf32, #tpu.memory_space<vmem>> -> memref<125x16xf32, #tpu.memory_space<vmem>>
        %dma_start3A_235 = arith.constant 0 : i32
        %dma_start3A_236 = tpu.memref_slice %arg5[%add3A_229, %dma_start3A_235] : memref<80x125xi32, #tpu.memory_space<vmem>> -> memref<1x125xi32, #tpu.memory_space<vmem>>
        %dma_start3A_237 = tpu.memref_squeeze %dma_start3A_236 : memref<1x125xi32, #tpu.memory_space<vmem>> -> memref<125xi32, #tpu.memory_space<vmem>>
        %dma_start3A_238 = arith.constant 0 : i32
        %dma_start3A_239 = arith.constant 0 : i32
        %dma_start3A_240 = tpu.memref_slice %arg2[%dma_start3A_238, %dma_start3A_239] : memref<10000x16xf32, #tpu.memory_space<hbm>> -> memref<10000x16xf32, #tpu.memory_space<hbm>>
        tpu.enqueue_indirect_dma source(%dma_start3A_240 : memref<10000x16xf32, #tpu.memory_space<hbm>>) target(%dma_start3A_234 : memref<125x16xf32, #tpu.memory_space<vmem>>) offsets(%dma_start3A_237 : memref<125xi32, #tpu.memory_space<vmem>>) semaphore(%arg11 : memref<!tpu.dma_semaphore, #tpu.memory_space<semaphore_mem>>)
      } else {
      }
      %dma_wait3A_206 = arith.constant 3 : i32
      %dma_wait3A_207 = arith.constant 0 : i32
      %dma_wait3A_208 = arith.constant 0 : i32
      %dma_wait3A_209 = tpu.memref_slice %arg7[%dma_wait3A_206, %dma_wait3A_207, %dma_wait3A_208] : memref<4x125x16xf32, #tpu.memory_space<vmem>> -> memref<1x125x16xf32, #tpu.memory_space<vmem>>
      %dma_wait3A_210 = tpu.memref_squeeze %dma_wait3A_209 : memref<1x125x16xf32, #tpu.memory_space<vmem>> -> memref<125x16xf32, #tpu.memory_space<vmem>>
      %dma_wait3A_211 = arith.constant 0 : i32
      %dma_wait3A_212 = tpu.memref_slice %arg5[%add3A_187, %dma_wait3A_211] : memref<80x125xi32, #tpu.memory_space<vmem>> -> memref<1x125xi32, #tpu.memory_space<vmem>>
      %dma_wait3A_213 = tpu.memref_squeeze %dma_wait3A_212 : memref<1x125xi32, #tpu.memory_space<vmem>> -> memref<125xi32, #tpu.memory_space<vmem>>
      %dma_wait3A_214 = arith.constant 0 : i32
      %dma_wait3A_215 = arith.constant 0 : i32
      %dma_wait3A_216 = tpu.memref_slice %arg2[%dma_wait3A_214, %dma_wait3A_215] : memref<10000x16xf32, #tpu.memory_space<hbm>> -> memref<10000x16xf32, #tpu.memory_space<hbm>>
      tpu.wait_indirect_dma semaphore(%arg13 : memref<!tpu.dma_semaphore, #tpu.memory_space<semaphore_mem>>) src(%dma_wait3A_216 : memref<10000x16xf32, #tpu.memory_space<hbm>>) dst(%dma_wait3A_210 : memref<125x16xf32, #tpu.memory_space<vmem>>)
      %dma_start3A_217 = arith.constant 3 : i32
      %dma_start3A_218 = arith.constant 0 : i32
      %dma_start3A_219 = arith.constant 0 : i32
      %dma_start3A_220 = tpu.memref_slice %arg7[%dma_start3A_217, %dma_start3A_218, %dma_start3A_219] : memref<4x125x16xf32, #tpu.memory_space<vmem>> -> memref<1x125x16xf32, #tpu.memory_space<vmem>>
      %dma_start3A_221 = tpu.memref_squeeze %dma_start3A_220 : memref<1x125x16xf32, #tpu.memory_space<vmem>> -> memref<125x16xf32, #tpu.memory_space<vmem>>
      %dma_start3A_222 = arith.constant 0 : i32
      %dma_start3A_223 = tpu.memref_slice %arg6[%add3A_187, %dma_start3A_222] : memref<80x125xi32, #tpu.memory_space<vmem>> -> memref<1x125xi32, #tpu.memory_space<vmem>>
      %dma_start3A_224 = tpu.memref_squeeze %dma_start3A_223 : memref<1x125xi32, #tpu.memory_space<vmem>> -> memref<125xi32, #tpu.memory_space<vmem>>
      %dma_start3A_225 = arith.constant 0 : i32
      %dma_start3A_226 = arith.constant 0 : i32
      %dma_start3A_227 = tpu.memref_slice %arg9[%dma_start3A_225, %dma_start3A_226] : memref<10240x16xf32, #tpu.memory_space<vmem_shared>> -> memref<10240x16xf32, #tpu.memory_space<vmem_shared>>
      tpu.enqueue_indirect_dma source(%dma_start3A_221 : memref<125x16xf32, #tpu.memory_space<vmem>>) target(%dma_start3A_227 : memref<10240x16xf32, #tpu.memory_space<vmem_shared>>) offsets(%dma_start3A_224 : memref<125xi32, #tpu.memory_space<vmem>>) semaphore(%arg17 : memref<!tpu.dma_semaphore, #tpu.memory_space<semaphore_mem>>) {add = true}
    }
    %scan3A_37 = arith.constant 20 : i32
    %dma_wait3A = arith.constant 2 : i32
    %dma_wait3A_38 = arith.constant 78 : i32
    %dma_wait3A_39 = arith.constant 0 : i32
    %dma_wait3A_40 = arith.constant 0 : i32
    %dma_wait3A_41 = tpu.memref_slice %arg7[%dma_wait3A, %dma_wait3A_39, %dma_wait3A_40] : memref<4x125x16xf32, #tpu.memory_space<vmem>> -> memref<1x125x16xf32, #tpu.memory_space<vmem>>
    %dma_wait3A_42 = tpu.memref_squeeze %dma_wait3A_41 : memref<1x125x16xf32, #tpu.memory_space<vmem>> -> memref<125x16xf32, #tpu.memory_space<vmem>>
    %dma_wait3A_43 = arith.constant 0 : i32
    %dma_wait3A_44 = tpu.memref_slice %arg6[%dma_wait3A_38, %dma_wait3A_43] : memref<80x125xi32, #tpu.memory_space<vmem>> -> memref<1x125xi32, #tpu.memory_space<vmem>>
    %dma_wait3A_45 = tpu.memref_squeeze %dma_wait3A_44 : memref<1x125xi32, #tpu.memory_space<vmem>> -> memref<125xi32, #tpu.memory_space<vmem>>
    %dma_wait3A_46 = arith.constant 0 : i32
    %dma_wait3A_47 = arith.constant 0 : i32
    %dma_wait3A_48 = tpu.memref_slice %arg9[%dma_wait3A_46, %dma_wait3A_47] : memref<10240x16xf32, #tpu.memory_space<vmem_shared>> -> memref<10240x16xf32, #tpu.memory_space<vmem_shared>>
    tpu.wait_indirect_dma semaphore(%arg16 : memref<!tpu.dma_semaphore, #tpu.memory_space<semaphore_mem>>) src(%dma_wait3A_42 : memref<125x16xf32, #tpu.memory_space<vmem>>) dst(%dma_wait3A_48 : memref<10240x16xf32, #tpu.memory_space<vmem_shared>>)
    %dma_wait3A_49 = arith.constant 3 : i32
    %dma_wait3A_50 = arith.constant 79 : i32
    %dma_wait3A_51 = arith.constant 0 : i32
    %dma_wait3A_52 = arith.constant 0 : i32
    %dma_wait3A_53 = tpu.memref_slice %arg7[%dma_wait3A_49, %dma_wait3A_51, %dma_wait3A_52] : memref<4x125x16xf32, #tpu.memory_space<vmem>> -> memref<1x125x16xf32, #tpu.memory_space<vmem>>
    %dma_wait3A_54 = tpu.memref_squeeze %dma_wait3A_53 : memref<1x125x16xf32, #tpu.memory_space<vmem>> -> memref<125x16xf32, #tpu.memory_space<vmem>>
    %dma_wait3A_55 = arith.constant 0 : i32
    %dma_wait3A_56 = tpu.memref_slice %arg6[%dma_wait3A_50, %dma_wait3A_55] : memref<80x125xi32, #tpu.memory_space<vmem>> -> memref<1x125xi32, #tpu.memory_space<vmem>>
    %dma_wait3A_57 = tpu.memref_squeeze %dma_wait3A_56 : memref<1x125xi32, #tpu.memory_space<vmem>> -> memref<125xi32, #tpu.memory_space<vmem>>
    %dma_wait3A_58 = arith.constant 0 : i32
    %dma_wait3A_59 = arith.constant 0 : i32
    %dma_wait3A_60 = tpu.memref_slice %arg9[%dma_wait3A_58, %dma_wait3A_59] : memref<10240x16xf32, #tpu.memory_space<vmem_shared>> -> memref<10240x16xf32, #tpu.memory_space<vmem_shared>>
    tpu.wait_indirect_dma semaphore(%arg17 : memref<!tpu.dma_semaphore, #tpu.memory_space<semaphore_mem>>) src(%dma_wait3A_54 : memref<125x16xf32, #tpu.memory_space<vmem>>) dst(%dma_wait3A_60 : memref<10240x16xf32, #tpu.memory_space<vmem_shared>>)
    %barrier3A_61 = arith.constant 0 : index
    tpu.barrier barrier_id(%barrier3A_61)
    "tpu.region"() ({
      %run_scoped3A_62 = tpu.sem_alloc : memref<!tpu.dma_semaphore, #tpu.memory_space<semaphore_mem>>
      %dma_start3A_63 = arith.constant 0 : i32
      %dma_start3A_64 = tpu.memref_slice %arg4[%arg0, %mul3A_2, %dma_start3A_63] : memref<2x10240x16xf32, #tpu.memory_space<hbm>> -> memref<1x640x16xf32, #tpu.memory_space<hbm>>
      %dma_start3A_65 = tpu.memref_squeeze %dma_start3A_64 : memref<1x640x16xf32, #tpu.memory_space<hbm>> -> memref<640x16xf32, #tpu.memory_space<hbm>>
      %dma_start3A_66 = arith.constant 0 : i32
      %dma_start3A_67 = tpu.memref_slice %arg9[%mul3A_2, %dma_start3A_66] : memref<10240x16xf32, #tpu.memory_space<vmem_shared>> -> memref<640x16xf32, #tpu.memory_space<vmem_shared>>
      tpu.enqueue_dma source(%dma_start3A_67 : memref<640x16xf32, #tpu.memory_space<vmem_shared>>) target(%dma_start3A_65 : memref<640x16xf32, #tpu.memory_space<hbm>>) target_semaphore(%run_scoped3A_62 : memref<!tpu.dma_semaphore, #tpu.memory_space<semaphore_mem>>)
      %dma_wait3A_68 = arith.constant 0 : i32
      %dma_wait3A_69 = tpu.memref_slice %arg4[%arg0, %mul3A_2, %dma_wait3A_68] : memref<2x10240x16xf32, #tpu.memory_space<hbm>> -> memref<1x640x16xf32, #tpu.memory_space<hbm>>
      %dma_wait3A_70 = tpu.memref_squeeze %dma_wait3A_69 : memref<1x640x16xf32, #tpu.memory_space<hbm>> -> memref<640x16xf32, #tpu.memory_space<hbm>>
      %dma_wait3A_71 = arith.constant 0 : i32
      %dma_wait3A_72 = tpu.memref_slice %arg9[%mul3A_2, %dma_wait3A_71] : memref<10240x16xf32, #tpu.memory_space<vmem_shared>> -> memref<640x16xf32, #tpu.memory_space<vmem_shared>>
      tpu.wait_dma2 semaphore(%run_scoped3A_62 : memref<!tpu.dma_semaphore, #tpu.memory_space<semaphore_mem>>) src(%dma_wait3A_72 : memref<640x16xf32, #tpu.memory_space<vmem_shared>>) dst(%dma_wait3A_70 : memref<640x16xf32, #tpu.memory_space<hbm>>)
      tpu.yield
    }) : () -> ()
    return
  }
}

#map = affine_map<(d0, d1) -> (0, 0)>
#map1 = affine_map<(d0, d1) -> (0, 0, 0, 0)>
#map2 = affine_map<(d0, d1) -> (0, 0, 0)>
module attributes {stable_mosaic.version = 14 : i64} {
  func.func @segsum(%arg0: i32, %arg1: i32, %arg2: memref<10000x16xf32, #tpu.memory_space<hbm>>, %arg3: memref<2x32x80x125xi32, #tpu.memory_space<hbm>>, %arg4: memref<2x10240x16xf32, #tpu.memory_space<hbm>>, %arg5: memref<80x125xi32, #tpu.memory_space<vmem>>, %arg6: memref<80x125xi32, #tpu.memory_space<vmem>>, %arg7: memref<4x125x16xf32, #tpu.memory_space<vmem>>, %arg8: memref<640x16xf32, #tpu.memory_space<vmem>>, %arg9: memref<10240x16xf32, #tpu.memory_space<vmem_shared>>, %arg10: memref<!tpu.dma_semaphore, #tpu.memory_space<semaphore_mem>>, %arg11: memref<!tpu.dma_semaphore, #tpu.memory_space<semaphore_mem>>, %arg12: memref<!tpu.dma_semaphore, #tpu.memory_space<semaphore_mem>>, %arg13: memref<!tpu.dma_semaphore, #tpu.memory_space<semaphore_mem>>, %arg14: memref<!tpu.dma_semaphore, #tpu.memory_space<semaphore_mem>>, %arg15: memref<!tpu.dma_semaphore, #tpu.memory_space<semaphore_mem>>, %arg16: memref<!tpu.dma_semaphore, #tpu.memory_space<semaphore_mem>>, %arg17: memref<!tpu.dma_semaphore, #tpu.memory_space<semaphore_mem>>) attributes {dimension_semantics = [#tpu.dimension_semantics<core_parallel>, #tpu.dimension_semantics<subcore_parallel>], iteration_bounds = array<i64: 2, 16>, scalar_prefetch = 0 : i64, scratch_operands = 13 : i64, tpu.core_type = #tpu.core_type<sc_vector_subcore>, window_params = [{transform_indices = #map}, {transform_indices = #map1}, {transform_indices = #map2}]} {
    %mul3A = arith.constant 16 : i32
    %mul3A_0 = arith.muli %arg0, %mul3A : i32
    %add3A = arith.addi %mul3A_0, %arg1 : i32
    %mul3A_1 = arith.constant 640 : i32
    %mul3A_2 = arith.muli %arg1, %mul3A_1 : i32
    %scan3A = arith.constant 0 : i32
    %scan3A_3 = arith.constant 0 : i32
    %scan3A_4 = arith.constant 640 : i32
    %scan3A_5 = arith.addi %scan3A_3, %scan3A_4 : i32
    %scan3A_6 = arith.constant 1 : i32
    scf.for %scan3A_62 = %scan3A_3 to %scan3A_5 step %scan3A_6  : i32 {
      %broadcast_in_dim3A = arith.constant 0.000000e+00 : f32
      %broadcast_in_dim3A_63 = vector.broadcast %broadcast_in_dim3A : f32 to vector<16xf32>
      %swap3A = arith.index_cast %scan3A_62 : i32 to index
      %swap3A_64 = arith.constant 0 : index
      %swap3A_65 = tpu.vector_load %arg8[%swap3A, %swap3A_64] {strides = array<i32>} : memref<640x16xf32, #tpu.memory_space<vmem>>, vector<1x16xf32>,
      %swap3A_66 = vector.shape_cast %swap3A_65 : vector<1x16xf32> to vector<16xf32>
      %swap3A_67 = vector.shape_cast %broadcast_in_dim3A_63 : vector<16xf32> to vector<1x16xf32>
      tpu.vector_store %arg8[%swap3A, %swap3A_64], %swap3A_67 {strides = array<i32>} : memref<640x16xf32, #tpu.memory_space<vmem>>, vector<1x16xf32>,
    }
    %scan3A_7 = arith.constant 640 : i32
    "tpu.region"() ({
      %run_scoped3A_62 = tpu.sem_alloc : memref<!tpu.dma_semaphore, #tpu.memory_space<semaphore_mem>>
      %dma_start3A_63 = arith.constant 0 : i32
      %dma_start3A_64 = tpu.memref_slice %arg9[%mul3A_2, %dma_start3A_63] : memref<10240x16xf32, #tpu.memory_space<vmem_shared>> -> memref<640x16xf32, #tpu.memory_space<vmem_shared>>
      %dma_start3A_65 = arith.constant 0 : i32
      %dma_start3A_66 = tpu.memref_slice %arg9[%mul3A_2, %dma_start3A_65] : memref<10240x16xf32, #tpu.memory_space<vmem_shared>> -> memref<640x16xf32, #tpu.memory_space<vmem_shared>>
      tpu.enqueue_dma source(%arg8 : memref<640x16xf32, #tpu.memory_space<vmem>>) target(%dma_start3A_66 : memref<640x16xf32, #tpu.memory_space<vmem_shared>>) target_semaphore(%run_scoped3A_62 : memref<!tpu.dma_semaphore, #tpu.memory_space<semaphore_mem>>)
      %dma_wait3A_67 = arith.constant 0 : i32
      %dma_wait3A_68 = tpu.memref_slice %arg9[%mul3A_2, %dma_wait3A_67] : memref<10240x16xf32, #tpu.memory_space<vmem_shared>> -> memref<640x16xf32, #tpu.memory_space<vmem_shared>>
      %dma_wait3A_69 = arith.constant 0 : i32
      %dma_wait3A_70 = tpu.memref_slice %arg9[%mul3A_2, %dma_wait3A_69] : memref<10240x16xf32, #tpu.memory_space<vmem_shared>> -> memref<640x16xf32, #tpu.memory_space<vmem_shared>>
      tpu.wait_dma2 semaphore(%run_scoped3A_62 : memref<!tpu.dma_semaphore, #tpu.memory_space<semaphore_mem>>) src(%arg8 : memref<640x16xf32, #tpu.memory_space<vmem>>) dst(%dma_wait3A_70 : memref<640x16xf32, #tpu.memory_space<vmem_shared>>)
      tpu.yield
    }) : () -> ()
    %run_scoped3A = arith.constant 0 : i32
    "tpu.region"() ({
      %run_scoped3A_62 = tpu.sem_alloc : memref<!tpu.dma_semaphore, #tpu.memory_space<semaphore_mem>>
      %dma_start3A_63 = arith.constant 0 : i32
      %dma_start3A_64 = arith.constant 0 : i32
      %dma_start3A_65 = tpu.memref_slice %arg3[%run_scoped3A, %add3A, %dma_start3A_63, %dma_start3A_64] : memref<2x32x80x125xi32, #tpu.memory_space<hbm>> -> memref<1x1x80x125xi32, #tpu.memory_space<hbm>>
      %dma_start3A_66 = tpu.memref_squeeze %dma_start3A_65 : memref<1x1x80x125xi32, #tpu.memory_space<hbm>> -> memref<80x125xi32, #tpu.memory_space<hbm>>
      %dma_start3A_67 = arith.constant 0 : i32
      %dma_start3A_68 = arith.constant 0 : i32
      %dma_start3A_69 = tpu.memref_slice %arg3[%run_scoped3A, %add3A, %dma_start3A_67, %dma_start3A_68] : memref<2x32x80x125xi32, #tpu.memory_space<hbm>> -> memref<1x1x80x125xi32, #tpu.memory_space<hbm>>
      %dma_start3A_70 = tpu.memref_squeeze %dma_start3A_69 : memref<1x1x80x125xi32, #tpu.memory_space<hbm>> -> memref<80x125xi32, #tpu.memory_space<hbm>>
      tpu.enqueue_dma source(%dma_start3A_70 : memref<80x125xi32, #tpu.memory_space<hbm>>) target(%arg5 : memref<80x125xi32, #tpu.memory_space<vmem>>) target_semaphore(%run_scoped3A_62 : memref<!tpu.dma_semaphore, #tpu.memory_space<semaphore_mem>>)
      %dma_wait3A_71 = arith.constant 0 : i32
      %dma_wait3A_72 = arith.constant 0 : i32
      %dma_wait3A_73 = tpu.memref_slice %arg3[%run_scoped3A, %add3A, %dma_wait3A_71, %dma_wait3A_72] : memref<2x32x80x125xi32, #tpu.memory_space<hbm>> -> memref<1x1x80x125xi32, #tpu.memory_space<hbm>>
      %dma_wait3A_74 = tpu.memref_squeeze %dma_wait3A_73 : memref<1x1x80x125xi32, #tpu.memory_space<hbm>> -> memref<80x125xi32, #tpu.memory_space<hbm>>
      %dma_wait3A_75 = arith.constant 0 : i32
      %dma_wait3A_76 = arith.constant 0 : i32
      %dma_wait3A_77 = tpu.memref_slice %arg3[%run_scoped3A, %add3A, %dma_wait3A_75, %dma_wait3A_76] : memref<2x32x80x125xi32, #tpu.memory_space<hbm>> -> memref<1x1x80x125xi32, #tpu.memory_space<hbm>>
      %dma_wait3A_78 = tpu.memref_squeeze %dma_wait3A_77 : memref<1x1x80x125xi32, #tpu.memory_space<hbm>> -> memref<80x125xi32, #tpu.memory_space<hbm>>
      tpu.wait_dma2 semaphore(%run_scoped3A_62 : memref<!tpu.dma_semaphore, #tpu.memory_space<semaphore_mem>>) src(%dma_wait3A_78 : memref<80x125xi32, #tpu.memory_space<hbm>>) dst(%arg5 : memref<80x125xi32, #tpu.memory_space<vmem>>)
      tpu.yield
    }) : () -> ()
    %run_scoped3A_8 = arith.constant 1 : i32
    "tpu.region"() ({
      %run_scoped3A_62 = tpu.sem_alloc : memref<!tpu.dma_semaphore, #tpu.memory_space<semaphore_mem>>
      %dma_start3A_63 = arith.constant 0 : i32
      %dma_start3A_64 = arith.constant 0 : i32
      %dma_start3A_65 = tpu.memref_slice %arg3[%run_scoped3A_8, %add3A, %dma_start3A_63, %dma_start3A_64] : memref<2x32x80x125xi32, #tpu.memory_space<hbm>> -> memref<1x1x80x125xi32, #tpu.memory_space<hbm>>
      %dma_start3A_66 = tpu.memref_squeeze %dma_start3A_65 : memref<1x1x80x125xi32, #tpu.memory_space<hbm>> -> memref<80x125xi32, #tpu.memory_space<hbm>>
      %dma_start3A_67 = arith.constant 0 : i32
      %dma_start3A_68 = arith.constant 0 : i32
      %dma_start3A_69 = tpu.memref_slice %arg3[%run_scoped3A_8, %add3A, %dma_start3A_67, %dma_start3A_68] : memref<2x32x80x125xi32, #tpu.memory_space<hbm>> -> memref<1x1x80x125xi32, #tpu.memory_space<hbm>>
      %dma_start3A_70 = tpu.memref_squeeze %dma_start3A_69 : memref<1x1x80x125xi32, #tpu.memory_space<hbm>> -> memref<80x125xi32, #tpu.memory_space<hbm>>
      tpu.enqueue_dma source(%dma_start3A_70 : memref<80x125xi32, #tpu.memory_space<hbm>>) target(%arg6 : memref<80x125xi32, #tpu.memory_space<vmem>>) target_semaphore(%run_scoped3A_62 : memref<!tpu.dma_semaphore, #tpu.memory_space<semaphore_mem>>)
      %dma_wait3A_71 = arith.constant 0 : i32
      %dma_wait3A_72 = arith.constant 0 : i32
      %dma_wait3A_73 = tpu.memref_slice %arg3[%run_scoped3A_8, %add3A, %dma_wait3A_71, %dma_wait3A_72] : memref<2x32x80x125xi32, #tpu.memory_space<hbm>> -> memref<1x1x80x125xi32, #tpu.memory_space<hbm>>
      %dma_wait3A_74 = tpu.memref_squeeze %dma_wait3A_73 : memref<1x1x80x125xi32, #tpu.memory_space<hbm>> -> memref<80x125xi32, #tpu.memory_space<hbm>>
      %dma_wait3A_75 = arith.constant 0 : i32
      %dma_wait3A_76 = arith.constant 0 : i32
      %dma_wait3A_77 = tpu.memref_slice %arg3[%run_scoped3A_8, %add3A, %dma_wait3A_75, %dma_wait3A_76] : memref<2x32x80x125xi32, #tpu.memory_space<hbm>> -> memref<1x1x80x125xi32, #tpu.memory_space<hbm>>
      %dma_wait3A_78 = tpu.memref_squeeze %dma_wait3A_77 : memref<1x1x80x125xi32, #tpu.memory_space<hbm>> -> memref<80x125xi32, #tpu.memory_space<hbm>>
      tpu.wait_dma2 semaphore(%run_scoped3A_62 : memref<!tpu.dma_semaphore, #tpu.memory_space<semaphore_mem>>) src(%dma_wait3A_78 : memref<80x125xi32, #tpu.memory_space<hbm>>) dst(%arg6 : memref<80x125xi32, #tpu.memory_space<vmem>>)
      tpu.yield
    }) : () -> ()
    %barrier3A = arith.constant 0 : index
    tpu.barrier barrier_id(%barrier3A)
    %dma_start3A = arith.constant 0 : i32
    %dma_start3A_9 = arith.constant 0 : i32
    %dma_start3A_10 = arith.constant 0 : i32
    %dma_start3A_11 = arith.constant 0 : i32
    %dma_start3A_12 = tpu.memref_slice %arg7[%dma_start3A_9, %dma_start3A_10, %dma_start3A_11] : memref<4x125x16xf32, #tpu.memory_space<vmem>> -> memref<1x125x16xf32, #tpu.memory_space<vmem>>
    %dma_start3A_13 = tpu.memref_squeeze %dma_start3A_12 : memref<1x125x16xf32, #tpu.memory_space<vmem>> -> memref<125x16xf32, #tpu.memory_space<vmem>>
    %dma_start3A_14 = arith.constant 0 : i32
    %dma_start3A_15 = tpu.memref_slice %arg5[%dma_start3A, %dma_start3A_14] : memref<80x125xi32, #tpu.memory_space<vmem>> -> memref<1x125xi32, #tpu.memory_space<vmem>>
    %dma_start3A_16 = tpu.memref_squeeze %dma_start3A_15 : memref<1x125xi32, #tpu.memory_space<vmem>> -> memref<125xi32, #tpu.memory_space<vmem>>
    %dma_start3A_17 = arith.constant 0 : i32
    %dma_start3A_18 = arith.constant 0 : i32
    %dma_start3A_19 = tpu.memref_slice %arg2[%dma_start3A_17, %dma_start3A_18] : memref<10000x16xf32, #tpu.memory_space<hbm>> -> memref<10000x16xf32, #tpu.memory_space<hbm>>
    tpu.enqueue_indirect_dma source(%dma_start3A_19 : memref<10000x16xf32, #tpu.memory_space<hbm>>) target(%dma_start3A_13 : memref<125x16xf32, #tpu.memory_space<vmem>>) offsets(%dma_start3A_16 : memref<125xi32, #tpu.memory_space<vmem>>) semaphore(%arg10 : memref<!tpu.dma_semaphore, #tpu.memory_space<semaphore_mem>>)
    %dma_start3A_20 = arith.constant 1 : i32
    %dma_start3A_21 = arith.constant 1 : i32
    %dma_start3A_22 = arith.constant 0 : i32
    %dma_start3A_23 = arith.constant 0 : i32
    %dma_start3A_24 = tpu.memref_slice %arg7[%dma_start3A_21, %dma_start3A_22, %dma_start3A_23] : memref<4x125x16xf32, #tpu.memory_space<vmem>> -> memref<1x125x16xf32, #tpu.memory_space<vmem>>
    %dma_start3A_25 = tpu.memref_squeeze %dma_start3A_24 : memref<1x125x16xf32, #tpu.memory_space<vmem>> -> memref<125x16xf32, #tpu.memory_space<vmem>>
    %dma_start3A_26 = arith.constant 0 : i32
    %dma_start3A_27 = tpu.memref_slice %arg5[%dma_start3A_20, %dma_start3A_26] : memref<80x125xi32, #tpu.memory_space<vmem>> -> memref<1x125xi32, #tpu.memory_space<vmem>>
    %dma_start3A_28 = tpu.memref_squeeze %dma_start3A_27 : memref<1x125xi32, #tpu.memory_space<vmem>> -> memref<125xi32, #tpu.memory_space<vmem>>
    %dma_start3A_29 = arith.constant 0 : i32
    %dma_start3A_30 = arith.constant 0 : i32
    %dma_start3A_31 = tpu.memref_slice %arg2[%dma_start3A_29, %dma_start3A_30] : memref<10000x16xf32, #tpu.memory_space<hbm>> -> memref<10000x16xf32, #tpu.memory_space<hbm>>
    tpu.enqueue_indirect_dma source(%dma_start3A_31 : memref<10000x16xf32, #tpu.memory_space<hbm>>) target(%dma_start3A_25 : memref<125x16xf32, #tpu.memory_space<vmem>>) offsets(%dma_start3A_28 : memref<125xi32, #tpu.memory_space<vmem>>) semaphore(%arg11 : memref<!tpu.dma_semaphore, #tpu.memory_space<semaphore_mem>>)
    %scan3A_32 = arith.constant 0 : i32
    %scan3A_33 = arith.constant 0 : i32
    %scan3A_34 = arith.constant 20 : i32
    %scan3A_35 = arith.addi %scan3A_33, %scan3A_34 : i32
    %scan3A_36 = arith.constant 1 : i32
    scf.for %scan3A_62 = %scan3A_33 to %scan3A_35 step %scan3A_36  : i32 {
      %mul3A_63 = arith.constant 4 : i32
      %mul3A_64 = arith.muli %mul3A_63, %scan3A_62 : i32
      %add3A_65 = arith.constant 0 : i32
      %add3A_66 = arith.addi %mul3A_64, %add3A_65 : i32
      %ge3A = arith.constant 1 : i32
      %ge3A_67 = arith.cmpi sge, %scan3A_62, %ge3A : i32
      %convert_element_type3A = arith.extui %ge3A_67 : i1 to i32
      %cond3A = arith.constant 0 : i32
      %cond3A_68 = arith.cmpi ne, %convert_element_type3A, %cond3A : i32
      scf.if %cond3A_68 {
        %sub3A_228 = arith.constant 2 : i32
        %sub3A_229 = arith.subi %add3A_66, %sub3A_228 : i32
        %dma_wait3A_230 = arith.constant 2 : i32
        %dma_wait3A_231 = arith.constant 0 : i32
        %dma_wait3A_232 = arith.constant 0 : i32
        %dma_wait3A_233 = tpu.memref_slice %arg7[%dma_wait3A_230, %dma_wait3A_231, %dma_wait3A_232] : memref<4x125x16xf32, #tpu.memory_space<vmem>> -> memref<1x125x16xf32, #tpu.memory_space<vmem>>
        %dma_wait3A_234 = tpu.memref_squeeze %dma_wait3A_233 : memref<1x125x16xf32, #tpu.memory_space<vmem>> -> memref<125x16xf32, #tpu.memory_space<vmem>>
        %dma_wait3A_235 = arith.constant 0 : i32
        %dma_wait3A_236 = tpu.memref_slice %arg6[%sub3A_229, %dma_wait3A_235] : memref<80x125xi32, #tpu.memory_space<vmem>> -> memref<1x125xi32, #tpu.memory_space<vmem>>
        %dma_wait3A_237 = tpu.memref_squeeze %dma_wait3A_236 : memref<1x125xi32, #tpu.memory_space<vmem>> -> memref<125xi32, #tpu.memory_space<vmem>>
        %dma_wait3A_238 = arith.constant 0 : i32
        %dma_wait3A_239 = arith.constant 0 : i32
        %dma_wait3A_240 = tpu.memref_slice %arg9[%dma_wait3A_238, %dma_wait3A_239] : memref<10240x16xf32, #tpu.memory_space<vmem_shared>> -> memref<10240x16xf32, #tpu.memory_space<vmem_shared>>
        tpu.wait_indirect_dma semaphore(%arg16 : memref<!tpu.dma_semaphore, #tpu.memory_space<semaphore_mem>>) src(%dma_wait3A_234 : memref<125x16xf32, #tpu.memory_space<vmem>>) dst(%dma_wait3A_240 : memref<10240x16xf32, #tpu.memory_space<vmem_shared>>)
      } else {
      }
      %add3A_69 = arith.constant 2 : i32
      %add3A_70 = arith.addi %add3A_66, %add3A_69 : i32
      %dma_start3A_71 = arith.constant 2 : i32
      %dma_start3A_72 = arith.constant 0 : i32
      %dma_start3A_73 = arith.constant 0 : i32
      %dma_start3A_74 = tpu.memref_slice %arg7[%dma_start3A_71, %dma_start3A_72, %dma_start3A_73] : memref<4x125x16xf32, #tpu.memory_space<vmem>> -> memref<1x125x16xf32, #tpu.memory_space<vmem>>
      %dma_start3A_75 = tpu.memref_squeeze %dma_start3A_74 : memref<1x125x16xf32, #tpu.memory_space<vmem>> -> memref<125x16xf32, #tpu.memory_space<vmem>>
      %dma_start3A_76 = arith.constant 0 : i32
      %dma_start3A_77 = tpu.memref_slice %arg5[%add3A_70, %dma_start3A_76] : memref<80x125xi32, #tpu.memory_space<vmem>> -> memref<1x125xi32, #tpu.memory_space<vmem>>
      %dma_start3A_78 = tpu.memref_squeeze %dma_start3A_77 : memref<1x125xi32, #tpu.memory_space<vmem>> -> memref<125xi32, #tpu.memory_space<vmem>>
      %dma_start3A_79 = arith.constant 0 : i32
      %dma_start3A_80 = arith.constant 0 : i32
      %dma_start3A_81 = tpu.memref_slice %arg2[%dma_start3A_79, %dma_start3A_80] : memref<10000x16xf32, #tpu.memory_space<hbm>> -> memref<10000x16xf32, #tpu.memory_space<hbm>>
      tpu.enqueue_indirect_dma source(%dma_start3A_81 : memref<10000x16xf32, #tpu.memory_space<hbm>>) target(%dma_start3A_75 : memref<125x16xf32, #tpu.memory_space<vmem>>) offsets(%dma_start3A_78 : memref<125xi32, #tpu.memory_space<vmem>>) semaphore(%arg12 : memref<!tpu.dma_semaphore, #tpu.memory_space<semaphore_mem>>)
      %dma_wait3A_82 = arith.constant 0 : i32
      %dma_wait3A_83 = arith.constant 0 : i32
      %dma_wait3A_84 = arith.constant 0 : i32
      %dma_wait3A_85 = tpu.memref_slice %arg7[%dma_wait3A_82, %dma_wait3A_83, %dma_wait3A_84] : memref<4x125x16xf32, #tpu.memory_space<vmem>> -> memref<1x125x16xf32, #tpu.memory_space<vmem>>
      %dma_wait3A_86 = tpu.memref_squeeze %dma_wait3A_85 : memref<1x125x16xf32, #tpu.memory_space<vmem>> -> memref<125x16xf32, #tpu.memory_space<vmem>>
      %dma_wait3A_87 = arith.constant 0 : i32
      %dma_wait3A_88 = tpu.memref_slice %arg5[%add3A_66, %dma_wait3A_87] : memref<80x125xi32, #tpu.memory_space<vmem>> -> memref<1x125xi32, #tpu.memory_space<vmem>>
      %dma_wait3A_89 = tpu.memref_squeeze %dma_wait3A_88 : memref<1x125xi32, #tpu.memory_space<vmem>> -> memref<125xi32, #tpu.memory_space<vmem>>
      %dma_wait3A_90 = arith.constant 0 : i32
      %dma_wait3A_91 = arith.constant 0 : i32
      %dma_wait3A_92 = tpu.memref_slice %arg2[%dma_wait3A_90, %dma_wait3A_91] : memref<10000x16xf32, #tpu.memory_space<hbm>> -> memref<10000x16xf32, #tpu.memory_space<hbm>>
      tpu.wait_indirect_dma semaphore(%arg10 : memref<!tpu.dma_semaphore, #tpu.memory_space<semaphore_mem>>) src(%dma_wait3A_92 : memref<10000x16xf32, #tpu.memory_space<hbm>>) dst(%dma_wait3A_86 : memref<125x16xf32, #tpu.memory_space<vmem>>)
      %dma_start3A_93 = arith.constant 0 : i32
      %dma_start3A_94 = arith.constant 0 : i32
      %dma_start3A_95 = arith.constant 0 : i32
      %dma_start3A_96 = tpu.memref_slice %arg7[%dma_start3A_93, %dma_start3A_94, %dma_start3A_95] : memref<4x125x16xf32, #tpu.memory_space<vmem>> -> memref<1x125x16xf32, #tpu.memory_space<vmem>>
      %dma_start3A_97 = tpu.memref_squeeze %dma_start3A_96 : memref<1x125x16xf32, #tpu.memory_space<vmem>> -> memref<125x16xf32, #tpu.memory_space<vmem>>
      %dma_start3A_98 = arith.constant 0 : i32
      %dma_start3A_99 = tpu.memref_slice %arg6[%add3A_66, %dma_start3A_98] : memref<80x125xi32, #tpu.memory_space<vmem>> -> memref<1x125xi32, #tpu.memory_space<vmem>>
      %dma_start3A_100 = tpu.memref_squeeze %dma_start3A_99 : memref<1x125xi32, #tpu.memory_space<vmem>> -> memref<125xi32, #tpu.memory_space<vmem>>
      %dma_start3A_101 = arith.constant 0 : i32
      %dma_start3A_102 = arith.constant 0 : i32
      %dma_start3A_103 = tpu.memref_slice %arg9[%dma_start3A_101, %dma_start3A_102] : memref<10240x16xf32, #tpu.memory_space<vmem_shared>> -> memref<10240x16xf32, #tpu.memory_space<vmem_shared>>
      tpu.enqueue_indirect_dma source(%dma_start3A_97 : memref<125x16xf32, #tpu.memory_space<vmem>>) target(%dma_start3A_103 : memref<10240x16xf32, #tpu.memory_space<vmem_shared>>) offsets(%dma_start3A_100 : memref<125xi32, #tpu.memory_space<vmem>>) semaphore(%arg14 : memref<!tpu.dma_semaphore, #tpu.memory_space<semaphore_mem>>) {add = true}
      %add3A_104 = arith.constant 1 : i32
      %add3A_105 = arith.addi %mul3A_64, %add3A_104 : i32
      %ge3A_106 = arith.constant 1 : i32
      %ge3A_107 = arith.cmpi sge, %scan3A_62, %ge3A_106 : i32
      %convert_element_type3A_108 = arith.extui %ge3A_107 : i1 to i32
      %cond3A_109 = arith.constant 0 : i32
      %cond3A_110 = arith.cmpi ne, %convert_element_type3A_108, %cond3A_109 : i32
      scf.if %cond3A_110 {
        %sub3A_228 = arith.constant 2 : i32
        %sub3A_229 = arith.subi %add3A_105, %sub3A_228 : i32
        %dma_wait3A_230 = arith.constant 3 : i32
        %dma_wait3A_231 = arith.constant 0 : i32
        %dma_wait3A_232 = arith.constant 0 : i32
        %dma_wait3A_233 = tpu.memref_slice %arg7[%dma_wait3A_230, %dma_wait3A_231, %dma_wait3A_232] : memref<4x125x16xf32, #tpu.memory_space<vmem>> -> memref<1x125x16xf32, #tpu.memory_space<vmem>>
        %dma_wait3A_234 = tpu.memref_squeeze %dma_wait3A_233 : memref<1x125x16xf32, #tpu.memory_space<vmem>> -> memref<125x16xf32, #tpu.memory_space<vmem>>
        %dma_wait3A_235 = arith.constant 0 : i32
        %dma_wait3A_236 = tpu.memref_slice %arg6[%sub3A_229, %dma_wait3A_235] : memref<80x125xi32, #tpu.memory_space<vmem>> -> memref<1x125xi32, #tpu.memory_space<vmem>>
        %dma_wait3A_237 = tpu.memref_squeeze %dma_wait3A_236 : memref<1x125xi32, #tpu.memory_space<vmem>> -> memref<125xi32, #tpu.memory_space<vmem>>
        %dma_wait3A_238 = arith.constant 0 : i32
        %dma_wait3A_239 = arith.constant 0 : i32
        %dma_wait3A_240 = tpu.memref_slice %arg9[%dma_wait3A_238, %dma_wait3A_239] : memref<10240x16xf32, #tpu.memory_space<vmem_shared>> -> memref<10240x16xf32, #tpu.memory_space<vmem_shared>>
        tpu.wait_indirect_dma semaphore(%arg17 : memref<!tpu.dma_semaphore, #tpu.memory_space<semaphore_mem>>) src(%dma_wait3A_234 : memref<125x16xf32, #tpu.memory_space<vmem>>) dst(%dma_wait3A_240 : memref<10240x16xf32, #tpu.memory_space<vmem_shared>>)
      } else {
      }
      %add3A_111 = arith.constant 2 : i32
      %add3A_112 = arith.addi %add3A_105, %add3A_111 : i32
      %dma_start3A_113 = arith.constant 3 : i32
      %dma_start3A_114 = arith.constant 0 : i32
      %dma_start3A_115 = arith.constant 0 : i32
      %dma_start3A_116 = tpu.memref_slice %arg7[%dma_start3A_113, %dma_start3A_114, %dma_start3A_115] : memref<4x125x16xf32, #tpu.memory_space<vmem>> -> memref<1x125x16xf32, #tpu.memory_space<vmem>>
      %dma_start3A_117 = tpu.memref_squeeze %dma_start3A_116 : memref<1x125x16xf32, #tpu.memory_space<vmem>> -> memref<125x16xf32, #tpu.memory_space<vmem>>
      %dma_start3A_118 = arith.constant 0 : i32
      %dma_start3A_119 = tpu.memref_slice %arg5[%add3A_112, %dma_start3A_118] : memref<80x125xi32, #tpu.memory_space<vmem>> -> memref<1x125xi32, #tpu.memory_space<vmem>>
      %dma_start3A_120 = tpu.memref_squeeze %dma_start3A_119 : memref<1x125xi32, #tpu.memory_space<vmem>> -> memref<125xi32, #tpu.memory_space<vmem>>
      %dma_start3A_121 = arith.constant 0 : i32
      %dma_start3A_122 = arith.constant 0 : i32
      %dma_start3A_123 = tpu.memref_slice %arg2[%dma_start3A_121, %dma_start3A_122] : memref<10000x16xf32, #tpu.memory_space<hbm>> -> memref<10000x16xf32, #tpu.memory_space<hbm>>
      tpu.enqueue_indirect_dma source(%dma_start3A_123 : memref<10000x16xf32, #tpu.memory_space<hbm>>) target(%dma_start3A_117 : memref<125x16xf32, #tpu.memory_space<vmem>>) offsets(%dma_start3A_120 : memref<125xi32, #tpu.memory_space<vmem>>) semaphore(%arg13 : memref<!tpu.dma_semaphore, #tpu.memory_space<semaphore_mem>>)
      %dma_wait3A_124 = arith.constant 1 : i32
      %dma_wait3A_125 = arith.constant 0 : i32
      %dma_wait3A_126 = arith.constant 0 : i32
      %dma_wait3A_127 = tpu.memref_slice %arg7[%dma_wait3A_124, %dma_wait3A_125, %dma_wait3A_126] : memref<4x125x16xf32, #tpu.memory_space<vmem>> -> memref<1x125x16xf32, #tpu.memory_space<vmem>>
      %dma_wait3A_128 = tpu.memref_squeeze %dma_wait3A_127 : memref<1x125x16xf32, #tpu.memory_space<vmem>> -> memref<125x16xf32, #tpu.memory_space<vmem>>
      %dma_wait3A_129 = arith.constant 0 : i32
      %dma_wait3A_130 = tpu.memref_slice %arg5[%add3A_105, %dma_wait3A_129] : memref<80x125xi32, #tpu.memory_space<vmem>> -> memref<1x125xi32, #tpu.memory_space<vmem>>
      %dma_wait3A_131 = tpu.memref_squeeze %dma_wait3A_130 : memref<1x125xi32, #tpu.memory_space<vmem>> -> memref<125xi32, #tpu.memory_space<vmem>>
      %dma_wait3A_132 = arith.constant 0 : i32
      %dma_wait3A_133 = arith.constant 0 : i32
      %dma_wait3A_134 = tpu.memref_slice %arg2[%dma_wait3A_132, %dma_wait3A_133] : memref<10000x16xf32, #tpu.memory_space<hbm>> -> memref<10000x16xf32, #tpu.memory_space<hbm>>
      tpu.wait_indirect_dma semaphore(%arg11 : memref<!tpu.dma_semaphore, #tpu.memory_space<semaphore_mem>>) src(%dma_wait3A_134 : memref<10000x16xf32, #tpu.memory_space<hbm>>) dst(%dma_wait3A_128 : memref<125x16xf32, #tpu.memory_space<vmem>>)
      %dma_start3A_135 = arith.constant 1 : i32
      %dma_start3A_136 = arith.constant 0 : i32
      %dma_start3A_137 = arith.constant 0 : i32
      %dma_start3A_138 = tpu.memref_slice %arg7[%dma_start3A_135, %dma_start3A_136, %dma_start3A_137] : memref<4x125x16xf32, #tpu.memory_space<vmem>> -> memref<1x125x16xf32, #tpu.memory_space<vmem>>
      %dma_start3A_139 = tpu.memref_squeeze %dma_start3A_138 : memref<1x125x16xf32, #tpu.memory_space<vmem>> -> memref<125x16xf32, #tpu.memory_space<vmem>>
      %dma_start3A_140 = arith.constant 0 : i32
      %dma_start3A_141 = tpu.memref_slice %arg6[%add3A_105, %dma_start3A_140] : memref<80x125xi32, #tpu.memory_space<vmem>> -> memref<1x125xi32, #tpu.memory_space<vmem>>
      %dma_start3A_142 = tpu.memref_squeeze %dma_start3A_141 : memref<1x125xi32, #tpu.memory_space<vmem>> -> memref<125xi32, #tpu.memory_space<vmem>>
      %dma_start3A_143 = arith.constant 0 : i32
      %dma_start3A_144 = arith.constant 0 : i32
      %dma_start3A_145 = tpu.memref_slice %arg9[%dma_start3A_143, %dma_start3A_144] : memref<10240x16xf32, #tpu.memory_space<vmem_shared>> -> memref<10240x16xf32, #tpu.memory_space<vmem_shared>>
      tpu.enqueue_indirect_dma source(%dma_start3A_139 : memref<125x16xf32, #tpu.memory_space<vmem>>) target(%dma_start3A_145 : memref<10240x16xf32, #tpu.memory_space<vmem_shared>>) offsets(%dma_start3A_142 : memref<125xi32, #tpu.memory_space<vmem>>) semaphore(%arg15 : memref<!tpu.dma_semaphore, #tpu.memory_space<semaphore_mem>>) {add = true}
      %add3A_146 = arith.constant 2 : i32
      %add3A_147 = arith.addi %mul3A_64, %add3A_146 : i32
      %sub3A = arith.constant 2 : i32
      %sub3A_148 = arith.subi %add3A_147, %sub3A : i32
      %dma_wait3A_149 = arith.constant 0 : i32
      %dma_wait3A_150 = arith.constant 0 : i32
      %dma_wait3A_151 = arith.constant 0 : i32
      %dma_wait3A_152 = tpu.memref_slice %arg7[%dma_wait3A_149, %dma_wait3A_150, %dma_wait3A_151] : memref<4x125x16xf32, #tpu.memory_space<vmem>> -> memref<1x125x16xf32, #tpu.memory_space<vmem>>
      %dma_wait3A_153 = tpu.memref_squeeze %dma_wait3A_152 : memref<1x125x16xf32, #tpu.memory_space<vmem>> -> memref<125x16xf32, #tpu.memory_space<vmem>>
      %dma_wait3A_154 = arith.constant 0 : i32
      %dma_wait3A_155 = tpu.memref_slice %arg6[%sub3A_148, %dma_wait3A_154] : memref<80x125xi32, #tpu.memory_space<vmem>> -> memref<1x125xi32, #tpu.memory_space<vmem>>
      %dma_wait3A_156 = tpu.memref_squeeze %dma_wait3A_155 : memref<1x125xi32, #tpu.memory_space<vmem>> -> memref<125xi32, #tpu.memory_space<vmem>>
      %dma_wait3A_157 = arith.constant 0 : i32
      %dma_wait3A_158 = arith.constant 0 : i32
      %dma_wait3A_159 = tpu.memref_slice %arg9[%dma_wait3A_157, %dma_wait3A_158] : memref<10240x16xf32, #tpu.memory_space<vmem_shared>> -> memref<10240x16xf32, #tpu.memory_space<vmem_shared>>
      tpu.wait_indirect_dma semaphore(%arg14 : memref<!tpu.dma_semaphore, #tpu.memory_space<semaphore_mem>>) src(%dma_wait3A_153 : memref<125x16xf32, #tpu.memory_space<vmem>>) dst(%dma_wait3A_159 : memref<10240x16xf32, #tpu.memory_space<vmem_shared>>)
      %lt3A = arith.constant 19 : i32
      %lt3A_160 = arith.cmpi slt, %scan3A_62, %lt3A : i32
      %convert_element_type3A_161 = arith.extui %lt3A_160 : i1 to i32
      %cond3A_162 = arith.constant 0 : i32
      %cond3A_163 = arith.cmpi ne, %convert_element_type3A_161, %cond3A_162 : i32
      scf.if %cond3A_163 {
        %add3A_228 = arith.constant 2 : i32
        %add3A_229 = arith.addi %add3A_147, %add3A_228 : i32
        %dma_start3A_230 = arith.constant 0 : i32
        %dma_start3A_231 = arith.constant 0 : i32
        %dma_start3A_232 = arith.constant 0 : i32
        %dma_start3A_233 = tpu.memref_slice %arg7[%dma_start3A_230, %dma_start3A_231, %dma_start3A_232] : memref<4x125x16xf32, #tpu.memory_space<vmem>> -> memref<1x125x16xf32, #tpu.memory_space<vmem>>
        %dma_start3A_234 = tpu.memref_squeeze %dma_start3A_233 : memref<1x125x16xf32, #tpu.memory_space<vmem>> -> memref<125x16xf32, #tpu.memory_space<vmem>>
        %dma_start3A_235 = arith.constant 0 : i32
        %dma_start3A_236 = tpu.memref_slice %arg5[%add3A_229, %dma_start3A_235] : memref<80x125xi32, #tpu.memory_space<vmem>> -> memref<1x125xi32, #tpu.memory_space<vmem>>
        %dma_start3A_237 = tpu.memref_squeeze %dma_start3A_236 : memref<1x125xi32, #tpu.memory_space<vmem>> -> memref<125xi32, #tpu.memory_space<vmem>>
        %dma_start3A_238 = arith.constant 0 : i32
        %dma_start3A_239 = arith.constant 0 : i32
        %dma_start3A_240 = tpu.memref_slice %arg2[%dma_start3A_238, %dma_start3A_239] : memref<10000x16xf32, #tpu.memory_space<hbm>> -> memref<10000x16xf32, #tpu.memory_space<hbm>>
        tpu.enqueue_indirect_dma source(%dma_start3A_240 : memref<10000x16xf32, #tpu.memory_space<hbm>>) target(%dma_start3A_234 : memref<125x16xf32, #tpu.memory_space<vmem>>) offsets(%dma_start3A_237 : memref<125xi32, #tpu.memory_space<vmem>>) semaphore(%arg10 : memref<!tpu.dma_semaphore, #tpu.memory_space<semaphore_mem>>)
      } else {
      }
      %dma_wait3A_164 = arith.constant 2 : i32
      %dma_wait3A_165 = arith.constant 0 : i32
      %dma_wait3A_166 = arith.constant 0 : i32
      %dma_wait3A_167 = tpu.memref_slice %arg7[%dma_wait3A_164, %dma_wait3A_165, %dma_wait3A_166] : memref<4x125x16xf32, #tpu.memory_space<vmem>> -> memref<1x125x16xf32, #tpu.memory_space<vmem>>
      %dma_wait3A_168 = tpu.memref_squeeze %dma_wait3A_167 : memref<1x125x16xf32, #tpu.memory_space<vmem>> -> memref<125x16xf32, #tpu.memory_space<vmem>>
      %dma_wait3A_169 = arith.constant 0 : i32
      %dma_wait3A_170 = tpu.memref_slice %arg5[%add3A_147, %dma_wait3A_169] : memref<80x125xi32, #tpu.memory_space<vmem>> -> memref<1x125xi32, #tpu.memory_space<vmem>>
      %dma_wait3A_171 = tpu.memref_squeeze %dma_wait3A_170 : memref<1x125xi32, #tpu.memory_space<vmem>> -> memref<125xi32, #tpu.memory_space<vmem>>
      %dma_wait3A_172 = arith.constant 0 : i32
      %dma_wait3A_173 = arith.constant 0 : i32
      %dma_wait3A_174 = tpu.memref_slice %arg2[%dma_wait3A_172, %dma_wait3A_173] : memref<10000x16xf32, #tpu.memory_space<hbm>> -> memref<10000x16xf32, #tpu.memory_space<hbm>>
      tpu.wait_indirect_dma semaphore(%arg12 : memref<!tpu.dma_semaphore, #tpu.memory_space<semaphore_mem>>) src(%dma_wait3A_174 : memref<10000x16xf32, #tpu.memory_space<hbm>>) dst(%dma_wait3A_168 : memref<125x16xf32, #tpu.memory_space<vmem>>)
      %dma_start3A_175 = arith.constant 2 : i32
      %dma_start3A_176 = arith.constant 0 : i32
      %dma_start3A_177 = arith.constant 0 : i32
      %dma_start3A_178 = tpu.memref_slice %arg7[%dma_start3A_175, %dma_start3A_176, %dma_start3A_177] : memref<4x125x16xf32, #tpu.memory_space<vmem>> -> memref<1x125x16xf32, #tpu.memory_space<vmem>>
      %dma_start3A_179 = tpu.memref_squeeze %dma_start3A_178 : memref<1x125x16xf32, #tpu.memory_space<vmem>> -> memref<125x16xf32, #tpu.memory_space<vmem>>
      %dma_start3A_180 = arith.constant 0 : i32
      %dma_start3A_181 = tpu.memref_slice %arg6[%add3A_147, %dma_start3A_180] : memref<80x125xi32, #tpu.memory_space<vmem>> -> memref<1x125xi32, #tpu.memory_space<vmem>>
      %dma_start3A_182 = tpu.memref_squeeze %dma_start3A_181 : memref<1x125xi32, #tpu.memory_space<vmem>> -> memref<125xi32, #tpu.memory_space<vmem>>
      %dma_start3A_183 = arith.constant 0 : i32
      %dma_start3A_184 = arith.constant 0 : i32
      %dma_start3A_185 = tpu.memref_slice %arg9[%dma_start3A_183, %dma_start3A_184] : memref<10240x16xf32, #tpu.memory_space<vmem_shared>> -> memref<10240x16xf32, #tpu.memory_space<vmem_shared>>
      tpu.enqueue_indirect_dma source(%dma_start3A_179 : memref<125x16xf32, #tpu.memory_space<vmem>>) target(%dma_start3A_185 : memref<10240x16xf32, #tpu.memory_space<vmem_shared>>) offsets(%dma_start3A_182 : memref<125xi32, #tpu.memory_space<vmem>>) semaphore(%arg16 : memref<!tpu.dma_semaphore, #tpu.memory_space<semaphore_mem>>) {add = true}
      %add3A_186 = arith.constant 3 : i32
      %add3A_187 = arith.addi %mul3A_64, %add3A_186 : i32
      %sub3A_188 = arith.constant 2 : i32
      %sub3A_189 = arith.subi %add3A_187, %sub3A_188 : i32
      %dma_wait3A_190 = arith.constant 1 : i32
      %dma_wait3A_191 = arith.constant 0 : i32
      %dma_wait3A_192 = arith.constant 0 : i32
      %dma_wait3A_193 = tpu.memref_slice %arg7[%dma_wait3A_190, %dma_wait3A_191, %dma_wait3A_192] : memref<4x125x16xf32, #tpu.memory_space<vmem>> -> memref<1x125x16xf32, #tpu.memory_space<vmem>>
      %dma_wait3A_194 = tpu.memref_squeeze %dma_wait3A_193 : memref<1x125x16xf32, #tpu.memory_space<vmem>> -> memref<125x16xf32, #tpu.memory_space<vmem>>
      %dma_wait3A_195 = arith.constant 0 : i32
      %dma_wait3A_196 = tpu.memref_slice %arg6[%sub3A_189, %dma_wait3A_195] : memref<80x125xi32, #tpu.memory_space<vmem>> -> memref<1x125xi32, #tpu.memory_space<vmem>>
      %dma_wait3A_197 = tpu.memref_squeeze %dma_wait3A_196 : memref<1x125xi32, #tpu.memory_space<vmem>> -> memref<125xi32, #tpu.memory_space<vmem>>
      %dma_wait3A_198 = arith.constant 0 : i32
      %dma_wait3A_199 = arith.constant 0 : i32
      %dma_wait3A_200 = tpu.memref_slice %arg9[%dma_wait3A_198, %dma_wait3A_199] : memref<10240x16xf32, #tpu.memory_space<vmem_shared>> -> memref<10240x16xf32, #tpu.memory_space<vmem_shared>>
      tpu.wait_indirect_dma semaphore(%arg15 : memref<!tpu.dma_semaphore, #tpu.memory_space<semaphore_mem>>) src(%dma_wait3A_194 : memref<125x16xf32, #tpu.memory_space<vmem>>) dst(%dma_wait3A_200 : memref<10240x16xf32, #tpu.memory_space<vmem_shared>>)
      %lt3A_201 = arith.constant 19 : i32
      %lt3A_202 = arith.cmpi slt, %scan3A_62, %lt3A_201 : i32
      %convert_element_type3A_203 = arith.extui %lt3A_202 : i1 to i32
      %cond3A_204 = arith.constant 0 : i32
      %cond3A_205 = arith.cmpi ne, %convert_element_type3A_203, %cond3A_204 : i32
      scf.if %cond3A_205 {
        %add3A_228 = arith.constant 2 : i32
        %add3A_229 = arith.addi %add3A_187, %add3A_228 : i32
        %dma_start3A_230 = arith.constant 1 : i32
        %dma_start3A_231 = arith.constant 0 : i32
        %dma_start3A_232 = arith.constant 0 : i32
        %dma_start3A_233 = tpu.memref_slice %arg7[%dma_start3A_230, %dma_start3A_231, %dma_start3A_232] : memref<4x125x16xf32, #tpu.memory_space<vmem>> -> memref<1x125x16xf32, #tpu.memory_space<vmem>>
        %dma_start3A_234 = tpu.memref_squeeze %dma_start3A_233 : memref<1x125x16xf32, #tpu.memory_space<vmem>> -> memref<125x16xf32, #tpu.memory_space<vmem>>
        %dma_start3A_235 = arith.constant 0 : i32
        %dma_start3A_236 = tpu.memref_slice %arg5[%add3A_229, %dma_start3A_235] : memref<80x125xi32, #tpu.memory_space<vmem>> -> memref<1x125xi32, #tpu.memory_space<vmem>>
        %dma_start3A_237 = tpu.memref_squeeze %dma_start3A_236 : memref<1x125xi32, #tpu.memory_space<vmem>> -> memref<125xi32, #tpu.memory_space<vmem>>
        %dma_start3A_238 = arith.constant 0 : i32
        %dma_start3A_239 = arith.constant 0 : i32
        %dma_start3A_240 = tpu.memref_slice %arg2[%dma_start3A_238, %dma_start3A_239] : memref<10000x16xf32, #tpu.memory_space<hbm>> -> memref<10000x16xf32, #tpu.memory_space<hbm>>
        tpu.enqueue_indirect_dma source(%dma_start3A_240 : memref<10000x16xf32, #tpu.memory_space<hbm>>) target(%dma_start3A_234 : memref<125x16xf32, #tpu.memory_space<vmem>>) offsets(%dma_start3A_237 : memref<125xi32, #tpu.memory_space<vmem>>) semaphore(%arg11 : memref<!tpu.dma_semaphore, #tpu.memory_space<semaphore_mem>>)
      } else {
      }
      %dma_wait3A_206 = arith.constant 3 : i32
      %dma_wait3A_207 = arith.constant 0 : i32
      %dma_wait3A_208 = arith.constant 0 : i32
      %dma_wait3A_209 = tpu.memref_slice %arg7[%dma_wait3A_206, %dma_wait3A_207, %dma_wait3A_208] : memref<4x125x16xf32, #tpu.memory_space<vmem>> -> memref<1x125x16xf32, #tpu.memory_space<vmem>>
      %dma_wait3A_210 = tpu.memref_squeeze %dma_wait3A_209 : memref<1x125x16xf32, #tpu.memory_space<vmem>> -> memref<125x16xf32, #tpu.memory_space<vmem>>
      %dma_wait3A_211 = arith.constant 0 : i32
      %dma_wait3A_212 = tpu.memref_slice %arg5[%add3A_187, %dma_wait3A_211] : memref<80x125xi32, #tpu.memory_space<vmem>> -> memref<1x125xi32, #tpu.memory_space<vmem>>
      %dma_wait3A_213 = tpu.memref_squeeze %dma_wait3A_212 : memref<1x125xi32, #tpu.memory_space<vmem>> -> memref<125xi32, #tpu.memory_space<vmem>>
      %dma_wait3A_214 = arith.constant 0 : i32
      %dma_wait3A_215 = arith.constant 0 : i32
      %dma_wait3A_216 = tpu.memref_slice %arg2[%dma_wait3A_214, %dma_wait3A_215] : memref<10000x16xf32, #tpu.memory_space<hbm>> -> memref<10000x16xf32, #tpu.memory_space<hbm>>
      tpu.wait_indirect_dma semaphore(%arg13 : memref<!tpu.dma_semaphore, #tpu.memory_space<semaphore_mem>>) src(%dma_wait3A_216 : memref<10000x16xf32, #tpu.memory_space<hbm>>) dst(%dma_wait3A_210 : memref<125x16xf32, #tpu.memory_space<vmem>>)
      %dma_start3A_217 = arith.constant 3 : i32
      %dma_start3A_218 = arith.constant 0 : i32
      %dma_start3A_219 = arith.constant 0 : i32
      %dma_start3A_220 = tpu.memref_slice %arg7[%dma_start3A_217, %dma_start3A_218, %dma_start3A_219] : memref<4x125x16xf32, #tpu.memory_space<vmem>> -> memref<1x125x16xf32, #tpu.memory_space<vmem>>
      %dma_start3A_221 = tpu.memref_squeeze %dma_start3A_220 : memref<1x125x16xf32, #tpu.memory_space<vmem>> -> memref<125x16xf32, #tpu.memory_space<vmem>>
      %dma_start3A_222 = arith.constant 0 : i32
      %dma_start3A_223 = tpu.memref_slice %arg6[%add3A_187, %dma_start3A_222] : memref<80x125xi32, #tpu.memory_space<vmem>> -> memref<1x125xi32, #tpu.memory_space<vmem>>
      %dma_start3A_224 = tpu.memref_squeeze %dma_start3A_223 : memref<1x125xi32, #tpu.memory_space<vmem>> -> memref<125xi32, #tpu.memory_space<vmem>>
      %dma_start3A_225 = arith.constant 0 : i32
      %dma_start3A_226 = arith.constant 0 : i32
      %dma_start3A_227 = tpu.memref_slice %arg9[%dma_start3A_225, %dma_start3A_226] : memref<10240x16xf32, #tpu.memory_space<vmem_shared>> -> memref<10240x16xf32, #tpu.memory_space<vmem_shared>>
      tpu.enqueue_indirect_dma source(%dma_start3A_221 : memref<125x16xf32, #tpu.memory_space<vmem>>) target(%dma_start3A_227 : memref<10240x16xf32, #tpu.memory_space<vmem_shared>>) offsets(%dma_start3A_224 : memref<125xi32, #tpu.memory_space<vmem>>) semaphore(%arg17 : memref<!tpu.dma_semaphore, #tpu.memory_space<semaphore_mem>>) {add = true}
    }
    %scan3A_37 = arith.constant 20 : i32
    %dma_wait3A = arith.constant 2 : i32
    %dma_wait3A_38 = arith.constant 78 : i32
    %dma_wait3A_39 = arith.constant 0 : i32
    %dma_wait3A_40 = arith.constant 0 : i32
    %dma_wait3A_41 = tpu.memref_slice %arg7[%dma_wait3A, %dma_wait3A_39, %dma_wait3A_40] : memref<4x125x16xf32, #tpu.memory_space<vmem>> -> memref<1x125x16xf32, #tpu.memory_space<vmem>>
    %dma_wait3A_42 = tpu.memref_squeeze %dma_wait3A_41 : memref<1x125x16xf32, #tpu.memory_space<vmem>> -> memref<125x16xf32, #tpu.memory_space<vmem>>
    %dma_wait3A_43 = arith.constant 0 : i32
    %dma_wait3A_44 = tpu.memref_slice %arg6[%dma_wait3A_38, %dma_wait3A_43] : memref<80x125xi32, #tpu.memory_space<vmem>> -> memref<1x125xi32, #tpu.memory_space<vmem>>
    %dma_wait3A_45 = tpu.memref_squeeze %dma_wait3A_44 : memref<1x125xi32, #tpu.memory_space<vmem>> -> memref<125xi32, #tpu.memory_space<vmem>>
    %dma_wait3A_46 = arith.constant 0 : i32
    %dma_wait3A_47 = arith.constant 0 : i32
    %dma_wait3A_48 = tpu.memref_slice %arg9[%dma_wait3A_46, %dma_wait3A_47] : memref<10240x16xf32, #tpu.memory_space<vmem_shared>> -> memref<10240x16xf32, #tpu.memory_space<vmem_shared>>
    tpu.wait_indirect_dma semaphore(%arg16 : memref<!tpu.dma_semaphore, #tpu.memory_space<semaphore_mem>>) src(%dma_wait3A_42 : memref<125x16xf32, #tpu.memory_space<vmem>>) dst(%dma_wait3A_48 : memref<10240x16xf32, #tpu.memory_space<vmem_shared>>)
    %dma_wait3A_49 = arith.constant 3 : i32
    %dma_wait3A_50 = arith.constant 79 : i32
    %dma_wait3A_51 = arith.constant 0 : i32
    %dma_wait3A_52 = arith.constant 0 : i32
    %dma_wait3A_53 = tpu.memref_slice %arg7[%dma_wait3A_49, %dma_wait3A_51, %dma_wait3A_52] : memref<4x125x16xf32, #tpu.memory_space<vmem>> -> memref<1x125x16xf32, #tpu.memory_space<vmem>>
    %dma_wait3A_54 = tpu.memref_squeeze %dma_wait3A_53 : memref<1x125x16xf32, #tpu.memory_space<vmem>> -> memref<125x16xf32, #tpu.memory_space<vmem>>
    %dma_wait3A_55 = arith.constant 0 : i32
    %dma_wait3A_56 = tpu.memref_slice %arg6[%dma_wait3A_50, %dma_wait3A_55] : memref<80x125xi32, #tpu.memory_space<vmem>> -> memref<1x125xi32, #tpu.memory_space<vmem>>
    %dma_wait3A_57 = tpu.memref_squeeze %dma_wait3A_56 : memref<1x125xi32, #tpu.memory_space<vmem>> -> memref<125xi32, #tpu.memory_space<vmem>>
    %dma_wait3A_58 = arith.constant 0 : i32
    %dma_wait3A_59 = arith.constant 0 : i32
    %dma_wait3A_60 = tpu.memref_slice %arg9[%dma_wait3A_58, %dma_wait3A_59] : memref<10240x16xf32, #tpu.memory_space<vmem_shared>> -> memref<10240x16xf32, #tpu.memory_space<vmem_shared>>
    tpu.wait_indirect_dma semaphore(%arg17 : memref<!tpu.dma_semaphore, #tpu.memory_space<semaphore_mem>>) src(%dma_wait3A_54 : memref<125x16xf32, #tpu.memory_space<vmem>>) dst(%dma_wait3A_60 : memref<10240x16xf32, #tpu.memory_space<vmem_shared>>)
    %barrier3A_61 = arith.constant 0 : index
    tpu.barrier barrier_id(%barrier3A_61)
    "tpu.region"() ({
      %run_scoped3A_62 = tpu.sem_alloc : memref<!tpu.dma_semaphore, #tpu.memory_space<semaphore_mem>>
      %dma_start3A_63 = arith.constant 0 : i32
      %dma_start3A_64 = tpu.memref_slice %arg4[%arg0, %mul3A_2, %dma_start3A_63] : memref<2x10240x16xf32, #tpu.memory_space<hbm>> -> memref<1x640x16xf32, #tpu.memory_space<hbm>>
      %dma_start3A_65 = tpu.memref_squeeze %dma_start3A_64 : memref<1x640x16xf32, #tpu.memory_space<hbm>> -> memref<640x16xf32, #tpu.memory_space<hbm>>
      %dma_start3A_66 = arith.constant 0 : i32
      %dma_start3A_67 = tpu.memref_slice %arg9[%mul3A_2, %dma_start3A_66] : memref<10240x16xf32, #tpu.memory_space<vmem_shared>> -> memref<640x16xf32, #tpu.memory_space<vmem_shared>>
      tpu.enqueue_dma source(%dma_start3A_67 : memref<640x16xf32, #tpu.memory_space<vmem_shared>>) target(%dma_start3A_65 : memref<640x16xf32, #tpu.memory_space<hbm>>) target_semaphore(%run_scoped3A_62 : memref<!tpu.dma_semaphore, #tpu.memory_space<semaphore_mem>>)
      %dma_wait3A_68 = arith.constant 0 : i32
      %dma_wait3A_69 = tpu.memref_slice %arg4[%arg0, %mul3A_2, %dma_wait3A_68] : memref<2x10240x16xf32, #tpu.memory_space<hbm>> -> memref<1x640x16xf32, #tpu.memory_space<hbm>>
      %dma_wait3A_70 = tpu.memref_squeeze %dma_wait3A_69 : memref<1x640x16xf32, #tpu.memory_space<hbm>> -> memref<640x16xf32, #tpu.memory_space<hbm>>
      %dma_wait3A_71 = arith.constant 0 : i32
      %dma_wait3A_72 = tpu.memref_slice %arg9[%mul3A_2, %dma_wait3A_71] : memref<10240x16xf32, #tpu.memory_space<vmem_shared>> -> memref<640x16xf32, #tpu.memory_space<vmem_shared>>
      tpu.wait_dma2 semaphore(%run_scoped3A_62 : memref<!tpu.dma_semaphore, #tpu.memory_space<semaphore_mem>>) src(%dma_wait3A_72 : memref<640x16xf32, #tpu.memory_space<vmem_shared>>) dst(%dma_wait3A_70 : memref<640x16xf32, #tpu.memory_space<hbm>>)
      tpu.yield
    }) : () -> ()
    return
  }
}

module attributes {stable_mosaic.version = 14 : i64} {
  func.func @_tc1_body(%arg0: memref<1250x1024xf32, #tpu.memory_space<vmem>>, %arg1: memref<1024x128xf32, #tpu.memory_space<vmem>>, %arg2: memref<1024x128xf32, #tpu.memory_space<vmem>>, %arg3: memref<1x128xf32, #tpu.memory_space<vmem>>, %arg4: memref<1250x128xf32, #tpu.memory_space<vmem>>, %arg5: memref<1250x128xf32, #tpu.memory_space<vmem>>) attributes {dimension_semantics = [], scalar_prefetch = 0 : i64, scratch_operands = 0 : i64, tpu.core_type = #tpu.core_type<tc>} {
    %get3A = arith.constant 0 : index
    %get3A_0 = arith.constant 0 : index
    %get3A_1 = vector.load %arg0[%get3A, %get3A_0] : memref<1250x1024xf32, #tpu.memory_space<vmem>>, vector<1250x1024xf32>
    %get3A_2 = arith.constant 0 : index
    %get3A_3 = arith.constant 0 : index
    %get3A_4 = vector.load %arg1[%get3A_2, %get3A_3] : memref<1024x128xf32, #tpu.memory_space<vmem>>, vector<1024x128xf32>
    %dot_general3A = arith.constant dense<0.000000e+00> : vector<1250x128xf32>
    %dot_general3A_5 = tpu.matmul %get3A_1, %get3A_4, %dot_general3A {dimension_numbers = #tpu.dot_dimension_numbers<[1], [0], [0], [1], [0, 0, 1, 1], [], []>, transpose_lhs_hint = false} : vector<1250x1024xf32>, vector<1024x128xf32>, vector<1250x128xf32> -> vector<1250x128xf32>
    %swap3A = arith.constant 0 : index
    %swap3A_6 = arith.constant 0 : index
    %swap3A_7 = vector.load %arg4[%swap3A, %swap3A_6] : memref<1250x128xf32, #tpu.memory_space<vmem>>, vector<1250x128xf32>
    tpu.vector_store %arg4[%swap3A, %swap3A_6], %dot_general3A_5 {strides = array<i32>} : memref<1250x128xf32, #tpu.memory_space<vmem>>, vector<1250x128xf32>,
    %get3A_8 = arith.constant 0 : index
    %get3A_9 = arith.constant 0 : index
    %get3A_10 = vector.load %arg2[%get3A_8, %get3A_9] : memref<1024x128xf32, #tpu.memory_space<vmem>>, vector<1024x128xf32>
    %dot_general3A_11 = arith.constant dense<0.000000e+00> : vector<1250x128xf32>
    %dot_general3A_12 = tpu.matmul %get3A_1, %get3A_10, %dot_general3A_11 {dimension_numbers = #tpu.dot_dimension_numbers<[1], [0], [0], [1], [0, 0, 1, 1], [], []>, transpose_lhs_hint = false} : vector<1250x1024xf32>, vector<1024x128xf32>, vector<1250x128xf32> -> vector<1250x128xf32>
    %get3A_13 = arith.constant 0 : index
    %get3A_14 = arith.constant 0 : index
    %get3A_15 = vector.load %arg3[%get3A_13, %get3A_14] : memref<1x128xf32, #tpu.memory_space<vmem>>, vector<1x128xf32>
    %add3A = vector.broadcast %get3A_15 : vector<1x128xf32> to vector<1250x128xf32>
    %add3A_16 = arith.addf %dot_general3A_12, %add3A : vector<1250x128xf32>
    %swap3A_17 = arith.constant 0 : index
    %swap3A_18 = arith.constant 0 : index
    %swap3A_19 = vector.load %arg5[%swap3A_17, %swap3A_18] : memref<1250x128xf32, #tpu.memory_space<vmem>>, vector<1250x128xf32>
    tpu.vector_store %arg5[%swap3A_17, %swap3A_18], %add3A_16 {strides = array<i32>} : memref<1250x128xf32, #tpu.memory_space<vmem>>, vector<1250x128xf32>,
    return
  }
}

module attributes {stable_mosaic.version = 14 : i64} {
  func.func @_tc2_body(%arg0: memref<2x1280x128xf32, #tpu.memory_space<vmem>>, %arg1: memref<1250x128xf32, #tpu.memory_space<vmem>>, %arg2: memref<128x128xf32, #tpu.memory_space<vmem>>, %arg3: memref<128x128xf32, #tpu.memory_space<vmem>>, %arg4: memref<1x128xf32, #tpu.memory_space<vmem>>, %arg5: memref<1250x128xf32, #tpu.memory_space<vmem>>, %arg6: memref<1250x128xf32, #tpu.memory_space<vmem>>) attributes {dimension_semantics = [], scalar_prefetch = 0 : i64, scratch_operands = 0 : i64, tpu.core_type = #tpu.core_type<tc>} {
    %get3A = arith.constant 0 : index
    %get3A_0 = arith.constant 0 : index
    %get3A_1 = arith.constant 0 : index
    %get3A_2 = vector.load %arg0[%get3A, %get3A_0, %get3A_1] : memref<2x1280x128xf32, #tpu.memory_space<vmem>>, vector<1x1250x128xf32>
    %get3A_3 = vector.shape_cast %get3A_2 : vector<1x1250x128xf32> to vector<1250x128xf32>
    %get3A_4 = arith.constant 1 : index
    %get3A_5 = arith.constant 0 : index
    %get3A_6 = arith.constant 0 : index
    %get3A_7 = vector.load %arg0[%get3A_4, %get3A_5, %get3A_6] : memref<2x1280x128xf32, #tpu.memory_space<vmem>>, vector<1x1250x128xf32>
    %get3A_8 = vector.shape_cast %get3A_7 : vector<1x1250x128xf32> to vector<1250x128xf32>
    %add3A = arith.addf %get3A_3, %get3A_8 : vector<1250x128xf32>
    %get3A_9 = arith.constant 0 : index
    %get3A_10 = arith.constant 0 : index
    %get3A_11 = vector.load %arg1[%get3A_9, %get3A_10] : memref<1250x128xf32, #tpu.memory_space<vmem>>, vector<1250x128xf32>
    %add3A_12 = arith.addf %add3A, %get3A_11 : vector<1250x128xf32>
    %max3A = arith.constant 0.000000e+00 : f32
    %max3A_13 = vector.broadcast %max3A : f32 to vector<1250x128xf32>
    %max3A_14 = arith.maximumf %add3A_12, %max3A_13 : vector<1250x128xf32>
    %get3A_15 = arith.constant 0 : index
    %get3A_16 = arith.constant 0 : index
    %get3A_17 = vector.load %arg2[%get3A_15, %get3A_16] : memref<128x128xf32, #tpu.memory_space<vmem>>, vector<128x128xf32>
    %dot_general3A = arith.constant dense<0.000000e+00> : vector<1250x128xf32>
    %dot_general3A_18 = tpu.matmul %max3A_14, %get3A_17, %dot_general3A {dimension_numbers = #tpu.dot_dimension_numbers<[1], [0], [0], [1], [0, 0, 1, 1], [], []>, transpose_lhs_hint = false} : vector<1250x128xf32>, vector<128x128xf32>, vector<1250x128xf32> -> vector<1250x128xf32>
    %swap3A = arith.constant 0 : index
    %swap3A_19 = arith.constant 0 : index
    %swap3A_20 = vector.load %arg5[%swap3A, %swap3A_19] : memref<1250x128xf32, #tpu.memory_space<vmem>>, vector<1250x128xf32>
    tpu.vector_store %arg5[%swap3A, %swap3A_19], %dot_general3A_18 {strides = array<i32>} : memref<1250x128xf32, #tpu.memory_space<vmem>>, vector<1250x128xf32>,
    %get3A_21 = arith.constant 0 : index
    %get3A_22 = arith.constant 0 : index
    %get3A_23 = vector.load %arg3[%get3A_21, %get3A_22] : memref<128x128xf32, #tpu.memory_space<vmem>>, vector<128x128xf32>
    %dot_general3A_24 = arith.constant dense<0.000000e+00> : vector<1250x128xf32>
    %dot_general3A_25 = tpu.matmul %max3A_14, %get3A_23, %dot_general3A_24 {dimension_numbers = #tpu.dot_dimension_numbers<[1], [0], [0], [1], [0, 0, 1, 1], [], []>, transpose_lhs_hint = false} : vector<1250x128xf32>, vector<128x128xf32>, vector<1250x128xf32> -> vector<1250x128xf32>
    %get3A_26 = arith.constant 0 : index
    %get3A_27 = arith.constant 0 : index
    %get3A_28 = vector.load %arg4[%get3A_26, %get3A_27] : memref<1x128xf32, #tpu.memory_space<vmem>>, vector<1x128xf32>
    %add3A_29 = vector.broadcast %get3A_28 : vector<1x128xf32> to vector<1250x128xf32>
    %add3A_30 = arith.addf %dot_general3A_25, %add3A_29 : vector<1250x128xf32>
    %swap3A_31 = arith.constant 0 : index
    %swap3A_32 = arith.constant 0 : index
    %swap3A_33 = vector.load %arg6[%swap3A_31, %swap3A_32] : memref<1250x128xf32, #tpu.memory_space<vmem>>, vector<1250x128xf32>
    tpu.vector_store %arg6[%swap3A_31, %swap3A_32], %add3A_30 {strides = array<i32>} : memref<1250x128xf32, #tpu.memory_space<vmem>>, vector<1250x128xf32>,
    return
  }
}

module attributes {stable_mosaic.version = 14 : i64} {
  func.func @_tc3_body(%arg0: memref<2x1280x128xf32, #tpu.memory_space<vmem>>, %arg1: memref<1250x128xf32, #tpu.memory_space<vmem>>, %arg2: memref<128x128xf32, #tpu.memory_space<vmem>>, %arg3: memref<1250x128xf32, #tpu.memory_space<vmem>>) attributes {dimension_semantics = [], scalar_prefetch = 0 : i64, scratch_operands = 0 : i64, tpu.core_type = #tpu.core_type<tc>} {
    %get3A = arith.constant 0 : index
    %get3A_0 = arith.constant 0 : index
    %get3A_1 = arith.constant 0 : index
    %get3A_2 = vector.load %arg0[%get3A, %get3A_0, %get3A_1] : memref<2x1280x128xf32, #tpu.memory_space<vmem>>, vector<1x1250x128xf32>
    %get3A_3 = vector.shape_cast %get3A_2 : vector<1x1250x128xf32> to vector<1250x128xf32>
    %get3A_4 = arith.constant 1 : index
    %get3A_5 = arith.constant 0 : index
    %get3A_6 = arith.constant 0 : index
    %get3A_7 = vector.load %arg0[%get3A_4, %get3A_5, %get3A_6] : memref<2x1280x128xf32, #tpu.memory_space<vmem>>, vector<1x1250x128xf32>
    %get3A_8 = vector.shape_cast %get3A_7 : vector<1x1250x128xf32> to vector<1250x128xf32>
    %add3A = arith.addf %get3A_3, %get3A_8 : vector<1250x128xf32>
    %get3A_9 = arith.constant 0 : index
    %get3A_10 = arith.constant 0 : index
    %get3A_11 = vector.load %arg1[%get3A_9, %get3A_10] : memref<1250x128xf32, #tpu.memory_space<vmem>>, vector<1250x128xf32>
    %add3A_12 = arith.addf %add3A, %get3A_11 : vector<1250x128xf32>
    %reshape3A = vector.shape_cast %add3A_12 : vector<1250x128xf32> to vector<1250x8x16xf32>
    %reduce_max3A = arith.constant dense<0xFF800000> : vector<1250x8xf32>
    %reduce_max3A_13 = vector.multi_reduction <maximumf>, %reshape3A, %reduce_max3A [2] : vector<1250x8x16xf32> to vector<1250x8xf32>
    %broadcast_in_dim3A = vector.shape_cast %reduce_max3A_13 : vector<1250x8xf32> to vector<1250x8x1xf32>
    %broadcast_in_dim3A_14 = vector.shape_cast %broadcast_in_dim3A : vector<1250x8x1xf32> to vector<1250x8x1xf32>
    %broadcast_in_dim3A_15 = vector.broadcast %broadcast_in_dim3A_14 : vector<1250x8x1xf32> to vector<1250x8x16xf32>
    %reshape3A_16 = vector.shape_cast %broadcast_in_dim3A_15 : vector<1250x8x16xf32> to vector<1250x128xf32>
    %sub3A = arith.subf %add3A_12, %reshape3A_16 : vector<1250x128xf32>
    %exp3A = math.exp %sub3A : vector<1250x128xf32>
    %get3A_17 = arith.constant 0 : index
    %get3A_18 = arith.constant 0 : index
    %get3A_19 = vector.load %arg2[%get3A_17, %get3A_18] : memref<128x128xf32, #tpu.memory_space<vmem>>, vector<128x128xf32>
    %dot_general3A = arith.constant dense<0.000000e+00> : vector<1250x128xf32>
    %dot_general3A_20 = tpu.matmul %exp3A, %get3A_19, %dot_general3A {dimension_numbers = #tpu.dot_dimension_numbers<[1], [0], [0], [1], [0, 0, 1, 1], [], []>, transpose_lhs_hint = false} : vector<1250x128xf32>, vector<128x128xf32>, vector<1250x128xf32> -> vector<1250x128xf32>
    %log3A = math.log %dot_general3A_20 : vector<1250x128xf32>
    %sub3A_21 = arith.subf %sub3A, %log3A : vector<1250x128xf32>
    %swap3A = arith.constant 0 : index
    %swap3A_22 = arith.constant 0 : index
    %swap3A_23 = vector.load %arg3[%swap3A, %swap3A_22] : memref<1250x128xf32, #tpu.memory_space<vmem>>, vector<1250x128xf32>
    tpu.vector_store %arg3[%swap3A, %swap3A_22], %sub3A_21 {strides = array<i32>} : memref<1250x128xf32, #tpu.memory_space<vmem>>, vector<1250x128xf32>,
    return
  }
}

</mosaic_0001>

<sc_bundles>
// kernel: kernel.10.cloned.1.call-start
scs
__scs_entry_jumppad:
0x0: {  	(pc) =	sbr.rel $0x88, $3  }
0x1: {  	(tag) =	ssettag $0x0;
	lr =	simm.s32 $0x1  }
0x2: {  	[smem:$0x3F99] =	sst lr;
	_ =	strace $0xD0000000  }
0x3: {  	_ = 	snop  }
0x4: {  	_ = 	snop  }
0x5: {  	_ = 	snop  }
0x6: {  	_ = 	snop  }
0x7: {  	_ = 	snop  }
__scs_overlays_trampoline_lowered:
0x8: {  	[smem:$0x3FA8] =	sst s0  }
0x9: {  	[smem:$0x3FA9] =	sst s1  }
0xa: {  	[smem:$0x3FAA] =	sst s2  }
0xb: {  	[smem:$0x3FAB] =	sst s3  }
0xc: {  	[smem:$0x3FAC] =	sst s4  }
0xd: {  	[smem:$0x3FAD] =	sst s5  }
0xe: {  	[smem:$0x3FAE] =	sst s6  }
0xf: {  	[smem:$0x3FAF] =	sst s7  }
0x10: {  	[smem:$0x3FB0] =	sst s8  }
0x11: {  	[smem:$0x3FB1] =	sst s9;
	s0 =	simm.s32 @!p0 $0x0  }
0x12: {  	s1 =	sld [smem:$0x3F97];
	s0 =	simm.s32 @p0 $0x1  }
0x13: {  	[smem:$0x3FB2] =	sst s0;
	s0 =	simm.s32 @!p1 $0x0  }
0x14: {  	s2 =	sld [smem:$0x3F96];
	s0 =	simm.s32 @p1 $0x1  }
0x15: {  	[smem:$0x3FB3] =	sst s0;
	s0 =	simm.s32 @!p2 $0x0  }
0x16: {  	s3 =	sld [smem:$0x3FDB];
	s0 =	simm.s32 @p2 $0x1  }
0x17: {  	s4 =	simm.s32 $0x1BF5;
	[smem:$0x3FB5] =	sst s0  }
0x18: {  	s0 =	sld [smem:$0x3F98];
	_ =	swait.ge [sflag:s4], $0x0  }
0x19: {  	s7 =	sld [smem:$0x3F99]  }
0x1a: {  	s8 =	sadd.s32 $0xFFFFE003, lr  }
0x1b: {  	s9 =	sadd.s32 $0xFFFFFEF7, lr;
	s5 =	simm.s32 $0xFFFFFFFF;
	p2 =	slt.u32 s8, $0xFFFFF086  }
0x1c: {  	p1 =	slt.u32 s9, $0xF7A;
	s5 =	simm.s32 @!p2 $0x0  }
0x1d: {  	s5 =	simm.s32 @p1 $0x1;
	p0 =	seq.s32 s7, s2  }
0x1e: {  	s7 =	smul.u32 @!p0 $0xF7A, s2;
	p2 =	seq.s32 @!p0 s5, $0x0  }
0x1f: {  	s9 =	smul.u32 $0xF7A, s1;
	s8 =	simm.s32 @!p0 $0x1BF5;
	p2 =	por !p2, p0  }
0x20: {  	[sflag:s8] =	ssyncset.s32 @!p0 $0xFFFFF086;
	s6 =	sadd.s32 @!p0 s3, s7;
	s7 =	simm.s32 @!p0 $0x108  }
0x21: {  	s3 =	sadd.s32 s3, s9;
	s6 =	sadd.s32 @!p0 $0x88, s6;
	s7 =	simm.s32 @p2 $0x1082  }
0x22: {  	[simem:s7], [sflag:s8] =	dma.local @!p0 [hbm:s6], $0xF7A  }
0x23: {  	s9 =	sor.u32 $0xD0000000, s2;
	s6 =	simm.s32 $0x108;
	_ =	swait.ge @!p0 [sflag:s8], $0x0  }
0x24: {  	s3 =	sadd.s32 $0x88, s3;
	s6 =	simm.s32 @!p1 $0x1082;
	[sflag:s4] =	ssyncset.s32 $0xFFFFF086  }
0x25: {  	[simem:s6], [sflag:s4] =	dma.local [hbm:s3], $0xF7A  }
0x26: {  	[smem:$0x3F99] =	sst s1;
	(tag) =	ssettag s2;
	_ =	strace s9  }
0x27: {  	s1 =	sld [smem:$0x3FA9]  }
0x28: {  	s2 =	sld [smem:$0x3FAA]  }
0x29: {  	s4 =	sld [smem:$0x3FAC]  }
0x2a: {  	p0 =	seq.s32 s5, $0x0;
	s5 =	sld [smem:$0x3FAD]  }
0x2b: {  	s6 =	sld [smem:$0x3FAE]  }
0x2c: {  	s7 =	sld [smem:$0x3FAF]  }
0x2d: {  	s3 =	simm.s32 $0x108;
	s8 =	sld [smem:$0x3FB0]  }
0x2e: {  	s3 =	simm.s32 @!p0 $0x1082;
	s9 =	sld [smem:$0x3FB1]  }
0x2f: {  	lr =	sadd.s32 s0, s3;
	s0 =	sld [smem:$0x3FA8]  }
0x30: {  	s3 =	sld [smem:$0x3FAB]  }
0x31: {  	[smem:$0x3FB4] =	sst s10  }
0x32: {  	s10 =	sld [smem:$0x3FB2];
	_ =	sdelay $0x3  }
0x33: {  	p0 =	seq.s32 s10, $0x1;
	s10 =	sld [smem:$0x3FB4];
	_ =	sdelay $0x3  }
0x34: {  	[smem:$0x3FB4] =	sst s10  }
0x35: {  	s10 =	sld [smem:$0x3FB3];
	_ =	sdelay $0x3  }
0x36: {  	p1 =	seq.s32 s10, $0x1;
	s10 =	sld [smem:$0x3FB4];
	_ =	sdelay $0x3  }
0x37: {  	[smem:$0x3FB4] =	sst s10  }
0x38: {  	s10 =	sld [smem:$0x3FB5]  }
0x39: {  	_ = 	snop;
	(pc) =	sbr.ind lr, $3  }
0x3a: {  	_ = 	snop  }
0x3b: {  	_ = 	snop  }
0x3c: {  	p2 =	seq.s32 s10, $0x1;
	s10 =	sld [smem:$0x3FB4]  }
0x3d: {  	_ =	shalt  }
0x3e: {  	_ =	shalt  }
0x3f: {  	_ =	shalt  }
0x40: {  	_ =	shalt  }
0x41: {  	_ =	shalt  }
0x42: {  	_ =	shalt  }
0x43: {  	_ =	shalt  }
0x44: {  	_ =	shalt  }
0x45: {  	_ =	shalt  }
0x46: {  	_ =	shalt  }
0x47: {  	_ =	shalt  }
0x48: {  	_ =	shalt  }
0x49: {  	_ =	shalt  }
0x4a: {  	_ =	shalt  }
0x4b: {  	_ =	shalt  }
0x4c: {  	_ =	shalt  }
0x4d: {  	_ =	shalt  }
0x4e: {  	_ =	shalt  }
0x4f: {  	_ =	shalt  }
0x50: {  	_ =	shalt  }
0x51: {  	_ =	shalt  }
0x52: {  	_ =	shalt  }
0x53: {  	_ =	shalt  }
0x54: {  	_ =	shalt  }
0x55: {  	_ =	shalt  }
0x56: {  	_ =	shalt  }
0x57: {  	_ =	shalt  }
0x58: {  	_ =	shalt  }
0x59: {  	_ =	shalt  }
0x5a: {  	_ =	shalt  }
0x5b: {  	_ =	shalt  }
0x5c: {  	_ =	shalt  }
0x5d: {  	_ =	shalt  }
0x5e: {  	_ =	shalt  }
0x5f: {  	_ =	shalt  }
0x60: {  	_ =	shalt  }
0x61: {  	_ =	shalt  }
0x62: {  	_ =	shalt  }
0x63: {  	_ =	shalt  }
0x64: {  	_ =	shalt  }
0x65: {  	_ =	shalt  }
0x66: {  	_ =	shalt  }
0x67: {  	_ =	shalt  }
0x68: {  	_ =	shalt  }
0x69: {  	_ =	shalt  }
0x6a: {  	_ =	shalt  }
0x6b: {  	_ =	shalt  }
0x6c: {  	_ =	shalt  }
0x6d: {  	_ =	shalt  }
0x6e: {  	_ =	shalt  }
0x6f: {  	_ =	shalt  }
0x70: {  	_ =	shalt  }
0x71: {  	_ =	shalt  }
0x72: {  	_ =	shalt  }
0x73: {  	_ =	shalt  }
0x74: {  	_ =	shalt  }
0x75: {  	_ =	shalt  }
0x76: {  	_ =	shalt  }
0x77: {  	_ =	shalt  }
0x78: {  	_ =	shalt  }
0x79: {  	_ =	shalt  }
0x7a: {  	_ =	shalt  }
0x7b: {  	_ =	shalt  }
0x7c: {  	_ =	shalt  }
0x7d: {  	_ =	shalt  }
0x7e: {  	_ =	shalt  }
0x7f: {  	_ =	shalt  }
0x80: {  	_ =	shalt  }
0x81: {  	_ =	shalt  }
0x82: {  	_ =	shalt  }
0x83: {  	_ =	shalt  }
0x84: {  	_ =	shalt  }
0x85: {  	_ =	shalt  }
0x86: {  	_ =	shalt  }
0x87: {  	_ =	shalt  }
.Lfunc_end0:
.L_simem_size_0:
called_computation.1_lowered:
.L_overlay_start_0:
0x88: {  	s2 =	sld [smem:$0x3FD9]  }
0x89: {  	s3 =	sld [smem:$0x3FFE];
	_ =	sdelay $0x1  }
0x8a: {  	s1 =	srdreg.scid  }
0x8b: {  	s0 =	sand.u32 $0x1, s1  }
0x8c: {  	s17 =	sshll.u32 s0, $0xA;
	s2 =	sadd.s32 s3, s2  }
0x8d: {  	s2 =	sadd.s32 s2, s17  }
0x8e: {  	[smem:$0x3FC0] =	sst s2  }
0x8f: {  	_ = 	snop  }
0x90: {  	s2 =	sld [smem:$0x3FD0];
	(tm) =	ssettm $0x1  }
0x91: {  	s18 =	sld [smem:$0x3FFB];
	_ =	sdelay $0x3  }
0x92: {  	_ =	strace s18  }
0x93: {  	s3 =	sld [smem:$0x3FFC];
	_ =	sdelay $0x3  }
0x94: {  	_ =	strace s3  }
0x95: {  	s3 =	sld [smem:$0x3FFD];
	_ =	sdelay $0x3  }
0x96: {  	_ =	strace s3  }
0x97: {  	_ =	strace $0x8FFFFFFF  }
0x98: {  	s19 =	sld [smem:$0x3FDB];
	_ =	sdelay $0x1  }
0x99: {  	s4 =	simm.s32 $_scs_section_size  }
0x9a: {  	s5 =	simm.s32 $_size__tile_overlayer_lowered;
	s6 =	simm.s32 $_tile_overlayer_lowered  }
0x9b: {  	s22 =	simm.s32 $0x1BFF;
	s21 =	sshll.u32 s6, $0x1;
	s3 =	sadd.s32 s4, s19  }
0x9c: {  	s7 =	simm.s32 $0x0;
	s20 =	sshll.u32 s5, $0x1;
	s5 =	sadd.s32 s21, s3  }
0x9d: {  	[timem:s7], [sflag:s22] =	dma.local [hbm:s5], s20  }
0x9e: {  	_ =	swait.ge [sflag:s22], s20  }
0x9f: {  	s4 =	ssub.s32 $0x0, s20;
	[sflag:s22] =	ssyncset.done $0x0  }
0xa0: {  	[sflag:s22] =	ssyncadd.s32 s4;
	_ =	sdelay $0x1  }
0xa1: {  	s23 =	simm.s32 $0x1B8B  }
0xa2: {  	_ =	swait.ge [sflag:s23], $0x1  }
0xa3: {  	[sflag:s23] =	ssyncset.done $0x0  }
0xa4: {  	s25 =	simm.s32 $0x1B8E;
	s24 =	sld [smem:$0x3FFE];
	[sflag:s23] =	ssyncadd.s32 $0xFFFFFFFF  }
0xa5: {  	s26 =	simm.s32 $execute0_lowered;
	[smem:$0x3FD2] =	sst s25  }
0xa6: {  	s5 =	sshll.u32 s26, $0x1;
	_ =	strace $0x80000049;
	[dreg:$0x1] =	wrdreg $0xFFFFFFFF  }
0xa7: {  	s28 =	simm.s32 $_size_execute0_lowered;
	s3 =	sadd.s32 s3, s5;
	[dreg:$0x0] =	wrdreg $0x0  }
0xa8: {  	s5 =	sshll.u32 s28, $0x1;
	[dreg:$0x2] =	wrdreg s3  }
0xa9: {  	[dreg:$0x3] =	wrdreg s5  }
0xaa: {  	[dreg:$0x4] =	wrdreg $0xC0  }
0xab: {  	_ =	task [dreg:s7], $0x5FFFF  }
0xac: {  	[dreg:$0x1] =	wrdreg $0xFFFFFFFF  }
0xad: {  	[dreg:$0x0] =	wrdreg $0x60  }
0xae: {  	[dreg:$0x2] =	wrdreg s2  }
0xaf: {  	[dreg:$0x3] =	wrdreg s24  }
0xb0: {  	[dreg:$0x4] =	wrdreg $0x97400  }
0xb1: {  	[dreg:$0x5] =	wrdreg $0x9  }
0xb2: {  	_ =	task.clear_ibuf [dreg:s7], $0x6FFFF;
	_ =	strace $0x90000049  }
0xb3: {  	s29 =	simm.s32 $0x9;
	_ =	strace $0x8000004B  }
0xb4: {  	_ =	swait.ge [sflag:s29], $0x1  }
0xb5: {  	[sflag:s29] =	ssyncadd.s32 $0xFFFFFFFF  }
0xb6: {  	_ =	strace $0x9000004B  }
0xb7: {  	_ =	sfence  }
0xb8: {  	s30 =	sld [smem:$0x0];
	_ =	sdelay $0x2  }
0xb9: {  	s31 =	sshll.u32 s1, $0xD;
	s1 =	sshrl.u32 s1, $0x2  }
0xba: {  	s3 =	sand.u32 $0x4000, s31;
	s1 =	sadd.s32 s1, s30  }
0xbb: {  	s0 =	sor.u32 s3, s0;
	s1 =	sshll.u32 s1, $0x11  }
0xbc: {  	s0 =	sor.u32 s1, s0  }
0xbd: {  	s0 =	sadd.s32 $0x8F2B, s0  }
0xbe: {  	[sflag:s0] =	ssyncadd.remote.s32 $0x1  }
0xbf: {  	_ =	sfence.sel $0xFFFF  }
0xc0: {  	[dreg:$0x0] =	wrdreg $0xFFFFFFFF;
	(pc) =	sbr.abs _section_cstart, $3  }
0xc1: {  	[dreg:$0x1] =	wrdreg $0xFFFFFFFF  }
0xc2: {  	_ =	task.clear_ibuf [dreg:s7], $0x2FFFF;
	_ =	strace $0x9FFFFFFF  }
0xc3: {  	(tm) =	ssettm $0x7FFFFFFF  }
tec
execute0_lowered:
.L_overlay_start_1:
0x0: {  	(tag) =	ssettag $0x1  }
0x1: {  	s2 =	rddreg [dreg:$0x0]  }
0x2: {  	s0 =	rddreg [dreg:$0x1];
	s1 =	srdreg.scid  }
0x3: {  	s3 =	rddreg [dreg:$0x2];
	s7 =	stileid.u32  }
0x4: {  	s4 =	simm.s32 $0x0;
	s11 =	simm.s32 $0x9;
	s12 =	simm.s32 $0x2800  }
0x5: {  	s13 =	simm.s32 $0x7D;
	s14 =	simm.s32 $0x5000;
	s16 =	simm.s32 $0x57D0  }
0x6: {  	s18 =	simm.s32 $0x5FA0;
	s19 =	simm.s32 $0x1;
	s21 =	simm.s32 $0x6770  }
0x7: {  	s22 =	simm.s32 $0x2;
	s24 =	simm.s32 $0x5;
	s29 =	simm.s32 $0x6  }
0x8: {  	s31 =	simm.s32 $0x4;
	s10 =	simm.s32 $0x8;
	s17 =	simm.s32 $0x4E00  }
0x9: {  	s20 =	simm.s32 $0x2780;
	s23 =	simm.s32 $0x4E80;
	s25 =	simm.s32 $0x4F00  }
0xa: {  	s28 =	simm.s32 $0x4F80;
	s1 =	sand.u32 $0x1, s1;
	s6 =	smul.u32 $0x2800, s7  }
0xb: {  	[smem:$0x7FF] =	sst s4;
	s5 =	sshll.u32 s1, $0x4;
	s26 =	smul.u32 $0x28000, s1  }
0xc: {  	_ =	strace $0x8000004A;
	s1 =	ssub.s32 $0x2, s1;
	s5 =	sor.u32 s7, s5  }
0xd: {  	s30 =	sshrl.u32 s1, $0x1;
	s5 =	smul.u32 $0x2800, s5;
	s7 =	sadd.s32 s6, s26  }
0xe: {  	s1 =	ssub.s32 s1, s30;
	s26 =	simm.s32 $0x3;
	s7 =	sshrl.u32 s7, $0x3  }
0xf: {  	s9 =	smax.u32 s1, $0x1;
	s1 =	simm.s32 $0x7;
	s5 =	sshrl.u32 s5, $0x3  }
0x10: {  	s8 =	sadd.s32 s5, s0;
	s0 =	sadd.s32 s7, s0;
	s5 =	sadd.s32 s6, s3  }
0x11: {  	v0 =	vimm.f32 $0.0e+00;
	s6 =	sadd.s32 $0x2400, s8;
	s7 =	sadd.s32 $0xC400, s8;
	s8 =	sadd.s32 $0x16400, s0  }
.LBB2_1:
0x12: {  	s0 =	simm.s32 $0x40;
	s30 =	simm.s32 $0x0  }
.LBB2_2:
0x13: {  	p0 =	sne.s32 s0, $0x9FC0;
	[tilespmem:s30+$0x6F40] =	vst v0;
	s30 =	smov.u32 s0;
	s0 =	sadd.s32 $0x40, s0  }
.Ltmp0:
0x14: {  	(pc) =	sbr.rel @p0 .LBB2_2-.Ltmp0, $2  }
0x15: {  	_ =	sdelay $0x2  }
0x16: {  	s30 =	sshra.s32 s30, $0x2  }
0x17: {  	[tilespmem:s30+$0x6F40] =	vst v0;
	s0 =	simm.s32 $0x6F40  }
0x18: {  	[spmem:s5] =	stream.linear.scatter [tilespmem:s0], [sflag:$0x9], $0x2800, $0x38;
	[tilespmem:$0xBF40] =	vst v63  }
0x19: {  	_ =	swait.ge [sflag:s11], $0x2800  }
0x1a: {  	[sflag:s11] =	ssyncset.done $0x0  }
0x1b: {  	s15 =	simm.s32 $0x0;
	[sflag:s11] =	ssyncadd.s32 $0xFFFFD800  }
0x1c: {  	[tilespmem:s15], [sflag:$0x9] =	stream.linear.gather [hbm4b:s6+s15], $0x2800, $0x38;
	[tilespmem:$0xBF40] =	vst v63  }
0x1d: {  	_ =	swait.ge [sflag:s11], $0x2800  }
0x1e: {  	[sflag:s11] =	ssyncset.done $0x0  }
0x1f: {  	[sflag:s11] =	ssyncadd.s32 $0xFFFFD800  }
0x20: {  	[tilespmem:s12], [sflag:$0x9] =	stream.linear.gather [hbm4b:s7+s15], $0x2800, $0x38;
	[tilespmem:$0xBF40] =	vst v63  }
0x21: {  	_ =	swait.ge [sflag:s11], $0x2800  }
0x22: {  	[sflag:s11] =	ssyncset.done $0x0  }
0x23: {  	[sflag:s11] =	ssyncadd.s32 $0xFFFFD800  }
0x24: {  	[bflag:$0x0] =	sbarrier.arrive $0xFFFF  }
0x25: {  	[tilespmem:s14], [sflag:$0x1] =	stream.indirect.gather [hbm4b:s2+s13], $0x10, s15, s13, $0xb8;
	[tilespmem:$0xBF40] =	vst v63  }
0x26: {  	s15 =	simm.s32 $0x80  }
0x27: {  	[tilespmem:s16], [sflag:$0x2] =	stream.indirect.gather [hbm4b:s2+s13], $0x10, s15, s13, $0xb8;
	[tilespmem:$0xBF40] =	vst v63  }
0x28: {  	s15 =	simm.s32 $0x100  }
0x29: {  	[tilespmem:s18], [sflag:$0x3] =	stream.indirect.gather [hbm4b:s2+s13], $0x10, s15, s13, $0xb8;
	[tilespmem:$0xBF40] =	vst v63  }
0x2a: {  	_ =	swait.ge [sflag:s19], $0x7D0  }
0x2b: {  	[sflag:s19] =	ssyncset.done $0x0  }
0x2c: {  	[sflag:s19] =	ssyncadd.s32 $0xFFFFF830  }
0x2d: {  	[spmem:s3] =	stream.indirect.scatter.add.f32 [tilespmem:s14], [sflag:$0x5], $0x10, s12, s13, $0xb8;
	[tilespmem:$0xBF40] =	vst v63  }
0x2e: {  	s15 =	simm.s32 $0x180  }
0x2f: {  	[tilespmem:s21], [sflag:$0x4] =	stream.indirect.gather [hbm4b:s2+s13], $0x10, s15, s13, $0xb8;
	[tilespmem:$0xBF40] =	vst v63  }
0x30: {  	_ =	swait.ge [sflag:s22], $0x7D0  }
0x31: {  	[sflag:s22] =	ssyncset.done $0x0  }
0x32: {  	s15 =	simm.s32 $0x2880;
	[sflag:s22] =	ssyncadd.s32 $0xFFFFF830  }
0x33: {  	[spmem:s3] =	stream.indirect.scatter.add.f32 [tilespmem:s16], [sflag:$0x6], $0x10, s15, s13, $0xb8;
	[tilespmem:$0xBF40] =	vst v63  }
0x34: {  	_ =	swait.ge [sflag:s24], $0x7D0  }
0x35: {  	[sflag:s24] =	ssyncset.done $0x0  }
0x36: {  	s15 =	simm.s32 $0x200;
	[sflag:s24] =	ssyncadd.s32 $0xFFFFF830  }
0x37: {  	[tilespmem:s14], [sflag:$0x1] =	stream.indirect.gather [hbm4b:s2+s13], $0x10, s15, s13, $0xb8;
	[tilespmem:$0xBF40] =	vst v63  }
0x38: {  	_ =	swait.ge [sflag:s26], $0x7D0  }
0x39: {  	[sflag:s26] =	ssyncset.done $0x0  }
0x3a: {  	s15 =	simm.s32 $0x2900;
	[sflag:s26] =	ssyncadd.s32 $0xFFFFF830  }
0x3b: {  	[spmem:s3] =	stream.indirect.scatter.add.f32 [tilespmem:s18], [sflag:$0x7], $0x10, s15, s13, $0xb8;
	[tilespmem:$0xBF40] =	vst v63  }
0x3c: {  	_ =	swait.ge [sflag:s29], $0x7D0  }
0x3d: {  	[sflag:s29] =	ssyncset.done $0x0  }
0x3e: {  	s15 =	simm.s32 $0x280;
	[sflag:s29] =	ssyncadd.s32 $0xFFFFF830  }
0x3f: {  	[tilespmem:s16], [sflag:$0x2] =	stream.indirect.gather [hbm4b:s2+s13], $0x10, s15, s13, $0xb8;
	[tilespmem:$0xBF40] =	vst v63  }
0x40: {  	_ =	swait.ge [sflag:s31], $0x7D0  }
0x41: {  	[sflag:s31] =	ssyncset.done $0x0  }
0x42: {  	s15 =	simm.s32 $0x2980;
	[sflag:s31] =	ssyncadd.s32 $0xFFFFF830  }
0x43: {  	[spmem:s3] =	stream.indirect.scatter.add.f32 [tilespmem:s21], [sflag:$0x8], $0x10, s15, s13, $0xb8;
	[tilespmem:$0xBF40] =	vst v63  }
0x44: {  	_ =	swait.ge [sflag:s1], $0x7D0  }
0x45: {  	[sflag:s1] =	ssyncset.done $0x0  }
0x46: {  	s15 =	simm.s32 $0x300;
	[sflag:s1] =	ssyncadd.s32 $0xFFFFF830  }
0x47: {  	[tilespmem:s18], [sflag:$0x3] =	stream.indirect.gather [hbm4b:s2+s13], $0x10, s15, s13, $0xb8;
	[tilespmem:$0xBF40] =	vst v63  }
0x48: {  	_ =	swait.ge [sflag:s19], $0x7D0  }
0x49: {  	[sflag:s19] =	ssyncset.done $0x0  }
0x4a: {  	s15 =	simm.s32 $0x2A00;
	[sflag:s19] =	ssyncadd.s32 $0xFFFFF830  }
0x4b: {  	[spmem:s3] =	stream.indirect.scatter.add.f32 [tilespmem:s14], [sflag:$0x5], $0x10, s15, s13, $0xb8;
	[tilespmem:$0xBF40] =	vst v63  }
0x4c: {  	_ =	swait.ge [sflag:s10], $0x7D0  }
0x4d: {  	[sflag:s10] =	ssyncset.done $0x0  }
0x4e: {  	s15 =	simm.s32 $0x380;
	[sflag:s10] =	ssyncadd.s32 $0xFFFFF830  }
0x4f: {  	[tilespmem:s21], [sflag:$0x4] =	stream.indirect.gather [hbm4b:s2+s13], $0x10, s15, s13, $0xb8;
	[tilespmem:$0xBF40] =	vst v63  }
0x50: {  	_ =	swait.ge [sflag:s22], $0x7D0  }
0x51: {  	[sflag:s22] =	ssyncset.done $0x0  }
0x52: {  	s15 =	simm.s32 $0x2A80;
	[sflag:s22] =	ssyncadd.s32 $0xFFFFF830  }
0x53: {  	[spmem:s3] =	stream.indirect.scatter.add.f32 [tilespmem:s16], [sflag:$0x6], $0x10, s15, s13, $0xb8;
	[tilespmem:$0xBF40] =	vst v63  }
0x54: {  	_ =	swait.ge [sflag:s24], $0x7D0  }
0x55: {  	[sflag:s24] =	ssyncset.done $0x0  }
0x56: {  	s15 =	simm.s32 $0x400;
	[sflag:s24] =	ssyncadd.s32 $0xFFFFF830  }
0x57: {  	[tilespmem:s14], [sflag:$0x1] =	stream.indirect.gather [hbm4b:s2+s13], $0x10, s15, s13, $0xb8;
	[tilespmem:$0xBF40] =	vst v63  }
0x58: {  	_ =	swait.ge [sflag:s26], $0x7D0  }
0x59: {  	[sflag:s26] =	ssyncset.done $0x0  }
0x5a: {  	s15 =	simm.s32 $0x2B00;
	[sflag:s26] =	ssyncadd.s32 $0xFFFFF830  }
0x5b: {  	[spmem:s3] =	stream.indirect.scatter.add.f32 [tilespmem:s18], [sflag:$0x7], $0x10, s15, s13, $0xb8;
	[tilespmem:$0xBF40] =	vst v63  }
0x5c: {  	_ =	swait.ge [sflag:s29], $0x7D0  }
0x5d: {  	[sflag:s29] =	ssyncset.done $0x0  }
0x5e: {  	s15 =	simm.s32 $0x480;
	[sflag:s29] =	ssyncadd.s32 $0xFFFFF830  }
0x5f: {  	[tilespmem:s16], [sflag:$0x2] =	stream.indirect.gather [hbm4b:s2+s13], $0x10, s15, s13, $0xb8;
	[tilespmem:$0xBF40] =	vst v63  }
0x60: {  	_ =	swait.ge [sflag:s31], $0x7D0  }
0x61: {  	[sflag:s31] =	ssyncset.done $0x0  }
0x62: {  	s30 =	simm.s32 $0x800;
	s0 =	simm.s32 $0x2B80;
	[sflag:s31] =	ssyncadd.s32 $0xFFFFF830  }
.LBB2_4:
0x63: {  	[spmem:s3] =	stream.indirect.scatter.add.f32 [tilespmem:s21], [sflag:$0x8], $0x10, s0, s13, $0xb8;
	[tilespmem:$0xBF40] =	vst v63  }
0x64: {  	s0 =	smov.u32 s30  }
0x65: {  	p0 =	sne.s32 s30, $0x8800;
	s30 =	sadd.s32 $0x800, s30;
	_ =	swait.ge [sflag:s1], $0x7D0  }
0x66: {  	s0 =	sshra.s32 s0, $0x2;
	[sflag:s1] =	ssyncset.done $0x0  }
0x67: {  	s15 =	sadd.s32 $0x300, s0;
	[sflag:s1] =	ssyncadd.s32 $0xFFFFF830  }
0x68: {  	[tilespmem:s18], [sflag:$0x3] =	stream.indirect.gather [hbm4b:s2+s13], $0x10, s15, s13, $0xb8;
	[tilespmem:$0xBF40] =	vst v63  }
0x69: {  	_ =	swait.ge [sflag:s19], $0x7D0  }
0x6a: {  	[sflag:s19] =	ssyncset.done $0x0  }
0x6b: {  	s15 =	sadd.s32 $0x2A00, s0;
	[sflag:s19] =	ssyncadd.s32 $0xFFFFF830  }
0x6c: {  	[spmem:s3] =	stream.indirect.scatter.add.f32 [tilespmem:s14], [sflag:$0x5], $0x10, s15, s13, $0xb8;
	[tilespmem:$0xBF40] =	vst v63  }
0x6d: {  	_ =	swait.ge [sflag:s10], $0x7D0  }
0x6e: {  	[sflag:s10] =	ssyncset.done $0x0  }
0x6f: {  	s15 =	sadd.s32 $0x380, s0;
	[sflag:s10] =	ssyncadd.s32 $0xFFFFF830  }
0x70: {  	[tilespmem:s21], [sflag:$0x4] =	stream.indirect.gather [hbm4b:s2+s13], $0x10, s15, s13, $0xb8;
	[tilespmem:$0xBF40] =	vst v63  }
0x71: {  	_ =	swait.ge [sflag:s22], $0x7D0  }
0x72: {  	[sflag:s22] =	ssyncset.done $0x0  }
0x73: {  	s15 =	sadd.s32 $0x2A80, s0;
	[sflag:s22] =	ssyncadd.s32 $0xFFFFF830  }
0x74: {  	[spmem:s3] =	stream.indirect.scatter.add.f32 [tilespmem:s16], [sflag:$0x6], $0x10, s15, s13, $0xb8;
	[tilespmem:$0xBF40] =	vst v63  }
0x75: {  	_ =	swait.ge [sflag:s24], $0x7D0  }
0x76: {  	[sflag:s24] =	ssyncset.done $0x0  }
0x77: {  	s15 =	sadd.s32 $0x400, s0;
	[sflag:s24] =	ssyncadd.s32 $0xFFFFF830  }
0x78: {  	[tilespmem:s14], [sflag:$0x1] =	stream.indirect.gather [hbm4b:s2+s13], $0x10, s15, s13, $0xb8;
	[tilespmem:$0xBF40] =	vst v63  }
0x79: {  	_ =	swait.ge [sflag:s26], $0x7D0  }
0x7a: {  	[sflag:s26] =	ssyncset.done $0x0  }
0x7b: {  	s15 =	sadd.s32 $0x2B00, s0;
	[sflag:s26] =	ssyncadd.s32 $0xFFFFF830  }
0x7c: {  	[spmem:s3] =	stream.indirect.scatter.add.f32 [tilespmem:s18], [sflag:$0x7], $0x10, s15, s13, $0xb8;
	[tilespmem:$0xBF40] =	vst v63  }
0x7d: {  	_ =	swait.ge [sflag:s29], $0x7D0  }
0x7e: {  	[sflag:s29] =	ssyncset.done $0x0  }
.Ltmp1:
0x7f: {  	s15 =	sadd.s32 $0x480, s0;
	[sflag:s29] =	ssyncadd.s32 $0xFFFFF830;
	(pc) =	sbr.rel @p0 .LBB2_4-.Ltmp1, $4  }
0x80: {  	[tilespmem:s16], [sflag:$0x2] =	stream.indirect.gather [hbm4b:s2+s13], $0x10, s15, s13, $0xb8;
	[tilespmem:$0xBF40] =	vst v63  }
0x81: {  	_ =	swait.ge [sflag:s31], $0x7D0  }
0x82: {  	[sflag:s31] =	ssyncset.done $0x0  }
0x83: {  	s0 =	sadd.s32 $0x2B80, s0;
	[sflag:s31] =	ssyncadd.s32 $0xFFFFF830  }
0x84: {  	[spmem:s3] =	stream.indirect.scatter.add.f32 [tilespmem:s21], [sflag:$0x8], $0x10, s0, s13, $0xb8;
	[tilespmem:$0xBF40] =	vst v63  }
0x85: {  	_ =	swait.ge [sflag:s1], $0x7D0  }
0x86: {  	[sflag:s1] =	ssyncset.done $0x0  }
0x87: {  	s15 =	simm.s32 $0x2700;
	[sflag:s1] =	ssyncadd.s32 $0xFFFFF830  }
0x88: {  	[tilespmem:s18], [sflag:$0x3] =	stream.indirect.gather [hbm4b:s2+s13], $0x10, s15, s13, $0xb8;
	[tilespmem:$0xBF40] =	vst v63  }
0x89: {  	_ =	swait.ge [sflag:s19], $0x7D0  }
0x8a: {  	[sflag:s19] =	ssyncset.done $0x0  }
0x8b: {  	[sflag:s19] =	ssyncadd.s32 $0xFFFFF830  }
0x8c: {  	[spmem:s3] =	stream.indirect.scatter.add.f32 [tilespmem:s14], [sflag:$0x5], $0x10, s17, s13, $0xb8;
	[tilespmem:$0xBF40] =	vst v63  }
0x8d: {  	_ =	swait.ge [sflag:s10], $0x7D0  }
0x8e: {  	[sflag:s10] =	ssyncset.done $0x0  }
0x8f: {  	[sflag:s10] =	ssyncadd.s32 $0xFFFFF830  }
0x90: {  	[tilespmem:s21], [sflag:$0x4] =	stream.indirect.gather [hbm4b:s2+s13], $0x10, s20, s13, $0xb8;
	[tilespmem:$0xBF40] =	vst v63  }
0x91: {  	_ =	swait.ge [sflag:s22], $0x7D0  }
0x92: {  	[sflag:s22] =	ssyncset.done $0x0  }
0x93: {  	[sflag:s22] =	ssyncadd.s32 $0xFFFFF830  }
0x94: {  	[spmem:s3] =	stream.indirect.scatter.add.f32 [tilespmem:s16], [sflag:$0x6], $0x10, s23, s13, $0xb8;
	[tilespmem:$0xBF40] =	vst v63  }
0x95: {  	_ =	swait.ge [sflag:s24], $0x7D0  }
0x96: {  	[sflag:s24] =	ssyncset.done $0x0  }
0x97: {  	[sflag:s24] =	ssyncadd.s32 $0xFFFFF830  }
0x98: {  	_ =	swait.ge [sflag:s26], $0x7D0  }
0x99: {  	[sflag:s26] =	ssyncset.done $0x0  }
0x9a: {  	[sflag:s26] =	ssyncadd.s32 $0xFFFFF830  }
0x9b: {  	[spmem:s3] =	stream.indirect.scatter.add.f32 [tilespmem:s18], [sflag:$0x7], $0x10, s25, s13, $0xb8;
	[tilespmem:$0xBF40] =	vst v63  }
0x9c: {  	_ =	swait.ge [sflag:s29], $0x7D0  }
0x9d: {  	[sflag:s29] =	ssyncset.done $0x0  }
0x9e: {  	[sflag:s29] =	ssyncadd.s32 $0xFFFFF830  }
0x9f: {  	_ =	swait.ge [sflag:s31], $0x7D0  }
0xa0: {  	[sflag:s31] =	ssyncset.done $0x0  }
0xa1: {  	[sflag:s31] =	ssyncadd.s32 $0xFFFFF830  }
0xa2: {  	[spmem:s3] =	stream.indirect.scatter.add.f32 [tilespmem:s21], [sflag:$0x8], $0x10, s28, s13, $0xb8;
	[tilespmem:$0xBF40] =	vst v63  }
0xa3: {  	_ =	swait.ge [sflag:s1], $0x7D0  }
0xa4: {  	[sflag:s1] =	ssyncset.done $0x0  }
0xa5: {  	[sflag:s1] =	ssyncadd.s32 $0xFFFFF830  }
0xa6: {  	s30 =	stileid.u32;
	_ =	swait.ge [sflag:s10], $0x7D0  }
0xa7: {  	s4 =	sadd.s32 $0x1, s4;
	s0 =	sshll.u32 s30, $0x6;
	[sflag:s10] =	ssyncset.done $0x0  }
0xa8: {  	p0 =	sne.s32 s4, s9;
	s0 =	sor.u32 $0x1C09, s0;
	[sflag:s10] =	ssyncadd.s32 $0xFFFFF830  }
.Ltmp2:
0xa9: {  	s15 =	sshrl.u32 s5, $0x3;
	[bflag:$0x0] =	sbarrier.arrive $0xFFFF;
	(pc) =	sbr.rel @p0 .LBB2_1-.Ltmp2, $4  }
0xaa: {  	[hbm:s8], [sflag:s0] =	dma.local [spmem:s15], $0x500  }
0xab: {  	_ =	swait.ge [sflag:s11], $0x500  }
0xac: {  	[sflag:s11] =	ssyncset.done $0x0  }
0xad: {  	[sflag:s11] =	ssyncadd.s32 $0xFFFFFB00  }
0xae: {  	_ =	sfence.sel $0x180000  }
0xaf: {  	[bflag:$0x0] =	sbarrier.arrive $0xFFFF  }
0xb0: {  	_ =	strace $0x9000004A  }
0xb1: {  	s0 =	stileid.u32;
	[bflag:$0x2] =	sbarrier.arrive $0xFFFF  }
0xb2: {  	p0 =	sne.s32 s0, $0x0;
	s0 =	rddreg [dreg:$0x3]  }
0xb3: {  	s0 =	sadd.s32 @!p0 $0x100000, s0  }
0xb4: {  	[sflag:s0] =	ssyncadd.tile.s32 @!p0 $0x1;
	_ =	shalt  }
.Lfunc_end2:
_tile_overlayer_lowered:
.L_overlay_start_2:
0xb5: {  	(tag) =	ssettag $0x2  }
0xb6: {  	s0 =	rddreg [dreg:$0x0];
	s2 =	stileid.u32  }
0xb7: {  	s1 =	rddreg [dreg:$0x1];
	p0 =	sne.s32 s2, $0x0  }
0xb8: {  	s3 =	rddreg [dreg:$0x2];
	[bflag:$0x3] =	sbarrier.arrive $0xFFFF;
	s2 =	simm.s32 @!p0 $0x1C09  }
0xb9: {  	[timem:s3], [sflag:s2] =	dma.local @!p0 [hbm:s0], s1  }
0xba: {  	s0 =	simm.s32 @!p0 $0x9  }
0xbb: {  	_ =	swait.ge @!p0 [sflag:s0], s1  }
0xbc: {  	s1 =	ssub.s32 @!p0 $0x0, s1;
	[sflag:s0] =	ssyncset.done @!p0 $0x0  }
0xbd: {  	[sflag:s0] =	ssyncadd.s32 @!p0 s1  }
0xbe: {  	[bflag:$0x3] =	sbarrier.arrive $0xFFFF  }
0xbf: {  	_ =	shalt  }

// kernel: kernel.7.cloned.1.call-start
scs
__scs_entry_jumppad:
0x0: {  	(pc) =	sbr.rel $0x88, $3  }
0x1: {  	(tag) =	ssettag $0x0;
	lr =	simm.s32 $0x1  }
0x2: {  	[smem:$0x3F99] =	sst lr;
	_ =	strace $0xD0000000  }
0x3: {  	_ = 	snop  }
0x4: {  	_ = 	snop  }
0x5: {  	_ = 	snop  }
0x6: {  	_ = 	snop  }
0x7: {  	_ = 	snop  }
__scs_overlays_trampoline_lowered:
0x8: {  	[smem:$0x3FA8] =	sst s0  }
0x9: {  	[smem:$0x3FA9] =	sst s1  }
0xa: {  	[smem:$0x3FAA] =	sst s2  }
0xb: {  	[smem:$0x3FAB] =	sst s3  }
0xc: {  	[smem:$0x3FAC] =	sst s4  }
0xd: {  	[smem:$0x3FAD] =	sst s5  }
0xe: {  	[smem:$0x3FAE] =	sst s6  }
0xf: {  	[smem:$0x3FAF] =	sst s7  }
0x10: {  	[smem:$0x3FB0] =	sst s8  }
0x11: {  	[smem:$0x3FB1] =	sst s9;
	s0 =	simm.s32 @!p0 $0x0  }
0x12: {  	s1 =	sld [smem:$0x3F97];
	s0 =	simm.s32 @p0 $0x1  }
0x13: {  	[smem:$0x3FB2] =	sst s0;
	s0 =	simm.s32 @!p1 $0x0  }
0x14: {  	s2 =	sld [smem:$0x3F96];
	s0 =	simm.s32 @p1 $0x1  }
0x15: {  	[smem:$0x3FB3] =	sst s0;
	s0 =	simm.s32 @!p2 $0x0  }
0x16: {  	s3 =	sld [smem:$0x3FDB];
	s0 =	simm.s32 @p2 $0x1  }
0x17: {  	s4 =	simm.s32 $0x1BF5;
	[smem:$0x3FB5] =	sst s0  }
0x18: {  	s0 =	sld [smem:$0x3F98];
	_ =	swait.ge [sflag:s4], $0x0  }
0x19: {  	s7 =	sld [smem:$0x3F99]  }
0x1a: {  	s8 =	sadd.s32 $0xFFFFE003, lr  }
0x1b: {  	s9 =	sadd.s32 $0xFFFFFEF7, lr;
	s5 =	simm.s32 $0xFFFFFFFF;
	p2 =	slt.u32 s8, $0xFFFFF086  }
0x1c: {  	p1 =	slt.u32 s9, $0xF7A;
	s5 =	simm.s32 @!p2 $0x0  }
0x1d: {  	s5 =	simm.s32 @p1 $0x1;
	p0 =	seq.s32 s7, s2  }
0x1e: {  	s7 =	smul.u32 @!p0 $0xF7A, s2;
	p2 =	seq.s32 @!p0 s5, $0x0  }
0x1f: {  	s9 =	smul.u32 $0xF7A, s1;
	s8 =	simm.s32 @!p0 $0x1BF5;
	p2 =	por !p2, p0  }
0x20: {  	[sflag:s8] =	ssyncset.s32 @!p0 $0xFFFFF086;
	s6 =	sadd.s32 @!p0 s3, s7;
	s7 =	simm.s32 @!p0 $0x108  }
0x21: {  	s3 =	sadd.s32 s3, s9;
	s6 =	sadd.s32 @!p0 $0x88, s6;
	s7 =	simm.s32 @p2 $0x1082  }
0x22: {  	[simem:s7], [sflag:s8] =	dma.local @!p0 [hbm:s6], $0xF7A  }
0x23: {  	s9 =	sor.u32 $0xD0000000, s2;
	s6 =	simm.s32 $0x108;
	_ =	swait.ge @!p0 [sflag:s8], $0x0  }
0x24: {  	s3 =	sadd.s32 $0x88, s3;
	s6 =	simm.s32 @!p1 $0x1082;
	[sflag:s4] =	ssyncset.s32 $0xFFFFF086  }
0x25: {  	[simem:s6], [sflag:s4] =	dma.local [hbm:s3], $0xF7A  }
0x26: {  	[smem:$0x3F99] =	sst s1;
	(tag) =	ssettag s2;
	_ =	strace s9  }
0x27: {  	s1 =	sld [smem:$0x3FA9]  }
0x28: {  	s2 =	sld [smem:$0x3FAA]  }
0x29: {  	s4 =	sld [smem:$0x3FAC]  }
0x2a: {  	p0 =	seq.s32 s5, $0x0;
	s5 =	sld [smem:$0x3FAD]  }
0x2b: {  	s6 =	sld [smem:$0x3FAE]  }
0x2c: {  	s7 =	sld [smem:$0x3FAF]  }
0x2d: {  	s3 =	simm.s32 $0x108;
	s8 =	sld [smem:$0x3FB0]  }
0x2e: {  	s3 =	simm.s32 @!p0 $0x1082;
	s9 =	sld [smem:$0x3FB1]  }
0x2f: {  	lr =	sadd.s32 s0, s3;
	s0 =	sld [smem:$0x3FA8]  }
0x30: {  	s3 =	sld [smem:$0x3FAB]  }
0x31: {  	[smem:$0x3FB4] =	sst s10  }
0x32: {  	s10 =	sld [smem:$0x3FB2];
	_ =	sdelay $0x3  }
0x33: {  	p0 =	seq.s32 s10, $0x1;
	s10 =	sld [smem:$0x3FB4];
	_ =	sdelay $0x3  }
0x34: {  	[smem:$0x3FB4] =	sst s10  }
0x35: {  	s10 =	sld [smem:$0x3FB3];
	_ =	sdelay $0x3  }
0x36: {  	p1 =	seq.s32 s10, $0x1;
	s10 =	sld [smem:$0x3FB4];
	_ =	sdelay $0x3  }
0x37: {  	[smem:$0x3FB4] =	sst s10  }
0x38: {  	s10 =	sld [smem:$0x3FB5]  }
0x39: {  	_ = 	snop;
	(pc) =	sbr.ind lr, $3  }
0x3a: {  	_ = 	snop  }
0x3b: {  	_ = 	snop  }
0x3c: {  	p2 =	seq.s32 s10, $0x1;
	s10 =	sld [smem:$0x3FB4]  }
0x3d: {  	_ =	shalt  }
0x3e: {  	_ =	shalt  }
0x3f: {  	_ =	shalt  }
0x40: {  	_ =	shalt  }
0x41: {  	_ =	shalt  }
0x42: {  	_ =	shalt  }
0x43: {  	_ =	shalt  }
0x44: {  	_ =	shalt  }
0x45: {  	_ =	shalt  }
0x46: {  	_ =	shalt  }
0x47: {  	_ =	shalt  }
0x48: {  	_ =	shalt  }
0x49: {  	_ =	shalt  }
0x4a: {  	_ =	shalt  }
0x4b: {  	_ =	shalt  }
0x4c: {  	_ =	shalt  }
0x4d: {  	_ =	shalt  }
0x4e: {  	_ =	shalt  }
0x4f: {  	_ =	shalt  }
0x50: {  	_ =	shalt  }
0x51: {  	_ =	shalt  }
0x52: {  	_ =	shalt  }
0x53: {  	_ =	shalt  }
0x54: {  	_ =	shalt  }
0x55: {  	_ =	shalt  }
0x56: {  	_ =	shalt  }
0x57: {  	_ =	shalt  }
0x58: {  	_ =	shalt  }
0x59: {  	_ =	shalt  }
0x5a: {  	_ =	shalt  }
0x5b: {  	_ =	shalt  }
0x5c: {  	_ =	shalt  }
0x5d: {  	_ =	shalt  }
0x5e: {  	_ =	shalt  }
0x5f: {  	_ =	shalt  }
0x60: {  	_ =	shalt  }
0x61: {  	_ =	shalt  }
0x62: {  	_ =	shalt  }
0x63: {  	_ =	shalt  }
0x64: {  	_ =	shalt  }
0x65: {  	_ =	shalt  }
0x66: {  	_ =	shalt  }
0x67: {  	_ =	shalt  }
0x68: {  	_ =	shalt  }
0x69: {  	_ =	shalt  }
0x6a: {  	_ =	shalt  }
0x6b: {  	_ =	shalt  }
0x6c: {  	_ =	shalt  }
0x6d: {  	_ =	shalt  }
0x6e: {  	_ =	shalt  }
0x6f: {  	_ =	shalt  }
0x70: {  	_ =	shalt  }
0x71: {  	_ =	shalt  }
0x72: {  	_ =	shalt  }
0x73: {  	_ =	shalt  }
0x74: {  	_ =	shalt  }
0x75: {  	_ =	shalt  }
0x76: {  	_ =	shalt  }
0x77: {  	_ =	shalt  }
0x78: {  	_ =	shalt  }
0x79: {  	_ =	shalt  }
0x7a: {  	_ =	shalt  }
0x7b: {  	_ =	shalt  }
0x7c: {  	_ =	shalt  }
0x7d: {  	_ =	shalt  }
0x7e: {  	_ =	shalt  }
0x7f: {  	_ =	shalt  }
0x80: {  	_ =	shalt  }
0x81: {  	_ =	shalt  }
0x82: {  	_ =	shalt  }
0x83: {  	_ =	shalt  }
0x84: {  	_ =	shalt  }
0x85: {  	_ =	shalt  }
0x86: {  	_ =	shalt  }
0x87: {  	_ =	shalt  }
.Lfunc_end0:
.L_simem_size_0:
called_computation_lowered:
.L_overlay_start_0:
0x88: {  	s2 =	sld [smem:$0x3FD9]  }
0x89: {  	s3 =	sld [smem:$0x3FFE];
	_ =	sdelay $0x1  }
0x8a: {  	s1 =	srdreg.scid  }
0x8b: {  	s0 =	sand.u32 $0x1, s1  }
0x8c: {  	s17 =	sshll.u32 s0, $0xA;
	s2 =	sadd.s32 s3, s2  }
0x8d: {  	s2 =	sadd.s32 s2, s17  }
0x8e: {  	[smem:$0x3FC0] =	sst s2  }
0x8f: {  	_ = 	snop  }
0x90: {  	s2 =	sld [smem:$0x3FD0];
	(tm) =	ssettm $0x1  }
0x91: {  	s18 =	sld [smem:$0x3FFB];
	_ =	sdelay $0x3  }
0x92: {  	_ =	strace s18  }
0x93: {  	s3 =	sld [smem:$0x3FFC];
	_ =	sdelay $0x3  }
0x94: {  	_ =	strace s3  }
0x95: {  	s3 =	sld [smem:$0x3FFD];
	_ =	sdelay $0x3  }
0x96: {  	_ =	strace s3  }
0x97: {  	_ =	strace $0x8FFFFFFF  }
0x98: {  	s19 =	sld [smem:$0x3FDB];
	_ =	sdelay $0x1  }
0x99: {  	s4 =	simm.s32 $_scs_section_size  }
0x9a: {  	s5 =	simm.s32 $_size__tile_overlayer_lowered;
	s6 =	simm.s32 $_tile_overlayer_lowered  }
0x9b: {  	s22 =	simm.s32 $0x1BFF;
	s21 =	sshll.u32 s6, $0x1;
	s3 =	sadd.s32 s4, s19  }
0x9c: {  	s7 =	simm.s32 $0x0;
	s20 =	sshll.u32 s5, $0x1;
	s5 =	sadd.s32 s21, s3  }
0x9d: {  	[timem:s7], [sflag:s22] =	dma.local [hbm:s5], s20  }
0x9e: {  	_ =	swait.ge [sflag:s22], s20  }
0x9f: {  	s4 =	ssub.s32 $0x0, s20;
	[sflag:s22] =	ssyncset.done $0x0  }
0xa0: {  	[sflag:s22] =	ssyncadd.s32 s4;
	_ =	sdelay $0x1  }
0xa1: {  	s23 =	simm.s32 $0x1B8B  }
0xa2: {  	_ =	swait.ge [sflag:s23], $0x1  }
0xa3: {  	[sflag:s23] =	ssyncset.done $0x0  }
0xa4: {  	s25 =	simm.s32 $0x1B8E;
	s24 =	sld [smem:$0x3FFE];
	[sflag:s23] =	ssyncadd.s32 $0xFFFFFFFF  }
0xa5: {  	s26 =	simm.s32 $execute0_lowered;
	[smem:$0x3FD2] =	sst s25  }
0xa6: {  	s5 =	sshll.u32 s26, $0x1;
	_ =	strace $0x80000046;
	[dreg:$0x1] =	wrdreg $0xFFFFFFFF  }
0xa7: {  	s28 =	simm.s32 $_size_execute0_lowered;
	s3 =	sadd.s32 s3, s5;
	[dreg:$0x0] =	wrdreg $0x0  }
0xa8: {  	s5 =	sshll.u32 s28, $0x1;
	[dreg:$0x2] =	wrdreg s3  }
0xa9: {  	[dreg:$0x3] =	wrdreg s5  }
0xaa: {  	[dreg:$0x4] =	wrdreg $0xC0  }
0xab: {  	_ =	task [dreg:s7], $0x5FFFF  }
0xac: {  	[dreg:$0x1] =	wrdreg $0xFFFFFFFF  }
0xad: {  	[dreg:$0x0] =	wrdreg $0x60  }
0xae: {  	[dreg:$0x2] =	wrdreg s2  }
0xaf: {  	[dreg:$0x3] =	wrdreg s24  }
0xb0: {  	[dreg:$0x4] =	wrdreg $0x97400  }
0xb1: {  	[dreg:$0x5] =	wrdreg $0x9  }
0xb2: {  	_ =	task.clear_ibuf [dreg:s7], $0x6FFFF;
	_ =	strace $0x90000046  }
0xb3: {  	s29 =	simm.s32 $0x9;
	_ =	strace $0x80000048  }
0xb4: {  	_ =	swait.ge [sflag:s29], $0x1  }
0xb5: {  	[sflag:s29] =	ssyncadd.s32 $0xFFFFFFFF  }
0xb6: {  	_ =	strace $0x90000048  }
0xb7: {  	_ =	sfence  }
0xb8: {  	s30 =	sld [smem:$0x0];
	_ =	sdelay $0x2  }
0xb9: {  	s31 =	sshll.u32 s1, $0xD;
	s1 =	sshrl.u32 s1, $0x2  }
0xba: {  	s3 =	sand.u32 $0x4000, s31;
	s1 =	sadd.s32 s1, s30  }
0xbb: {  	s0 =	sor.u32 s3, s0;
	s1 =	sshll.u32 s1, $0x11  }
0xbc: {  	s0 =	sor.u32 s1, s0  }
0xbd: {  	s0 =	sadd.s32 $0x8F2B, s0  }
0xbe: {  	[sflag:s0] =	ssyncadd.remote.s32 $0x1  }
0xbf: {  	_ =	sfence.sel $0xFFFF  }
0xc0: {  	[dreg:$0x0] =	wrdreg $0xFFFFFFFF;
	(pc) =	sbr.abs _section_cstart, $3  }
0xc1: {  	[dreg:$0x1] =	wrdreg $0xFFFFFFFF  }
0xc2: {  	_ =	task.clear_ibuf [dreg:s7], $0x2FFFF;
	_ =	strace $0x9FFFFFFF  }
0xc3: {  	(tm) =	ssettm $0x7FFFFFFF  }
tec
execute0_lowered:
.L_overlay_start_1:
0x0: {  	(tag) =	ssettag $0x1  }
0x1: {  	s2 =	rddreg [dreg:$0x0]  }
0x2: {  	s0 =	rddreg [dreg:$0x1];
	s1 =	srdreg.scid  }
0x3: {  	s3 =	rddreg [dreg:$0x2];
	s7 =	stileid.u32  }
0x4: {  	s4 =	simm.s32 $0x0;
	s11 =	simm.s32 $0x9;
	s12 =	simm.s32 $0x2800  }
0x5: {  	s13 =	simm.s32 $0x7D;
	s14 =	simm.s32 $0x5000;
	s16 =	simm.s32 $0x57D0  }
0x6: {  	s18 =	simm.s32 $0x5FA0;
	s19 =	simm.s32 $0x1;
	s21 =	simm.s32 $0x6770  }
0x7: {  	s22 =	simm.s32 $0x2;
	s24 =	simm.s32 $0x5;
	s29 =	simm.s32 $0x6  }
0x8: {  	s31 =	simm.s32 $0x4;
	s10 =	simm.s32 $0x8;
	s17 =	simm.s32 $0x4E00  }
0x9: {  	s20 =	simm.s32 $0x2780;
	s23 =	simm.s32 $0x4E80;
	s25 =	simm.s32 $0x4F00  }
0xa: {  	s28 =	simm.s32 $0x4F80;
	s1 =	sand.u32 $0x1, s1;
	s6 =	smul.u32 $0x2800, s7  }
0xb: {  	[smem:$0x7FF] =	sst s4;
	s5 =	sshll.u32 s1, $0x4;
	s26 =	smul.u32 $0x28000, s1  }
0xc: {  	_ =	strace $0x80000047;
	s1 =	ssub.s32 $0x2, s1;
	s5 =	sor.u32 s7, s5  }
0xd: {  	s30 =	sshrl.u32 s1, $0x1;
	s5 =	smul.u32 $0x2800, s5;
	s7 =	sadd.s32 s6, s26  }
0xe: {  	s1 =	ssub.s32 s1, s30;
	s26 =	simm.s32 $0x3;
	s7 =	sshrl.u32 s7, $0x3  }
0xf: {  	s9 =	smax.u32 s1, $0x1;
	s1 =	simm.s32 $0x7;
	s5 =	sshrl.u32 s5, $0x3  }
0x10: {  	s8 =	sadd.s32 s5, s0;
	s0 =	sadd.s32 s7, s0;
	s5 =	sadd.s32 s6, s3  }
0x11: {  	v0 =	vimm.f32 $0.0e+00;
	s6 =	sadd.s32 $0x2400, s8;
	s7 =	sadd.s32 $0xC400, s8;
	s8 =	sadd.s32 $0x16400, s0  }
.LBB2_1:
0x12: {  	s0 =	simm.s32 $0x40;
	s30 =	simm.s32 $0x0  }
.LBB2_2:
0x13: {  	p0 =	sne.s32 s0, $0x9FC0;
	[tilespmem:s30+$0x6F40] =	vst v0;
	s30 =	smov.u32 s0;
	s0 =	sadd.s32 $0x40, s0  }
.Ltmp0:
0x14: {  	(pc) =	sbr.rel @p0 .LBB2_2-.Ltmp0, $2  }
0x15: {  	_ =	sdelay $0x2  }
0x16: {  	s30 =	sshra.s32 s30, $0x2  }
0x17: {  	[tilespmem:s30+$0x6F40] =	vst v0;
	s0 =	simm.s32 $0x6F40  }
0x18: {  	[spmem:s5] =	stream.linear.scatter [tilespmem:s0], [sflag:$0x9], $0x2800, $0x38;
	[tilespmem:$0xBF40] =	vst v63  }
0x19: {  	_ =	swait.ge [sflag:s11], $0x2800  }
0x1a: {  	[sflag:s11] =	ssyncset.done $0x0  }
0x1b: {  	s15 =	simm.s32 $0x0;
	[sflag:s11] =	ssyncadd.s32 $0xFFFFD800  }
0x1c: {  	[tilespmem:s15], [sflag:$0x9] =	stream.linear.gather [hbm4b:s6+s15], $0x2800, $0x38;
	[tilespmem:$0xBF40] =	vst v63  }
0x1d: {  	_ =	swait.ge [sflag:s11], $0x2800  }
0x1e: {  	[sflag:s11] =	ssyncset.done $0x0  }
0x1f: {  	[sflag:s11] =	ssyncadd.s32 $0xFFFFD800  }
0x20: {  	[tilespmem:s12], [sflag:$0x9] =	stream.linear.gather [hbm4b:s7+s15], $0x2800, $0x38;
	[tilespmem:$0xBF40] =	vst v63  }
0x21: {  	_ =	swait.ge [sflag:s11], $0x2800  }
0x22: {  	[sflag:s11] =	ssyncset.done $0x0  }
0x23: {  	[sflag:s11] =	ssyncadd.s32 $0xFFFFD800  }
0x24: {  	[bflag:$0x0] =	sbarrier.arrive $0xFFFF  }
0x25: {  	[tilespmem:s14], [sflag:$0x1] =	stream.indirect.gather [hbm4b:s2+s13], $0x10, s15, s13, $0xb8;
	[tilespmem:$0xBF40] =	vst v63  }
0x26: {  	s15 =	simm.s32 $0x80  }
0x27: {  	[tilespmem:s16], [sflag:$0x2] =	stream.indirect.gather [hbm4b:s2+s13], $0x10, s15, s13, $0xb8;
	[tilespmem:$0xBF40] =	vst v63  }
0x28: {  	s15 =	simm.s32 $0x100  }
0x29: {  	[tilespmem:s18], [sflag:$0x3] =	stream.indirect.gather [hbm4b:s2+s13], $0x10, s15, s13, $0xb8;
	[tilespmem:$0xBF40] =	vst v63  }
0x2a: {  	_ =	swait.ge [sflag:s19], $0x7D0  }
0x2b: {  	[sflag:s19] =	ssyncset.done $0x0  }
0x2c: {  	[sflag:s19] =	ssyncadd.s32 $0xFFFFF830  }
0x2d: {  	[spmem:s3] =	stream.indirect.scatter.add.f32 [tilespmem:s14], [sflag:$0x5], $0x10, s12, s13, $0xb8;
	[tilespmem:$0xBF40] =	vst v63  }
0x2e: {  	s15 =	simm.s32 $0x180  }
0x2f: {  	[tilespmem:s21], [sflag:$0x4] =	stream.indirect.gather [hbm4b:s2+s13], $0x10, s15, s13, $0xb8;
	[tilespmem:$0xBF40] =	vst v63  }
0x30: {  	_ =	swait.ge [sflag:s22], $0x7D0  }
0x31: {  	[sflag:s22] =	ssyncset.done $0x0  }
0x32: {  	s15 =	simm.s32 $0x2880;
	[sflag:s22] =	ssyncadd.s32 $0xFFFFF830  }
0x33: {  	[spmem:s3] =	stream.indirect.scatter.add.f32 [tilespmem:s16], [sflag:$0x6], $0x10, s15, s13, $0xb8;
	[tilespmem:$0xBF40] =	vst v63  }
0x34: {  	_ =	swait.ge [sflag:s24], $0x7D0  }
0x35: {  	[sflag:s24] =	ssyncset.done $0x0  }
0x36: {  	s15 =	simm.s32 $0x200;
	[sflag:s24] =	ssyncadd.s32 $0xFFFFF830  }
0x37: {  	[tilespmem:s14], [sflag:$0x1] =	stream.indirect.gather [hbm4b:s2+s13], $0x10, s15, s13, $0xb8;
	[tilespmem:$0xBF40] =	vst v63  }
0x38: {  	_ =	swait.ge [sflag:s26], $0x7D0  }
0x39: {  	[sflag:s26] =	ssyncset.done $0x0  }
0x3a: {  	s15 =	simm.s32 $0x2900;
	[sflag:s26] =	ssyncadd.s32 $0xFFFFF830  }
0x3b: {  	[spmem:s3] =	stream.indirect.scatter.add.f32 [tilespmem:s18], [sflag:$0x7], $0x10, s15, s13, $0xb8;
	[tilespmem:$0xBF40] =	vst v63  }
0x3c: {  	_ =	swait.ge [sflag:s29], $0x7D0  }
0x3d: {  	[sflag:s29] =	ssyncset.done $0x0  }
0x3e: {  	s15 =	simm.s32 $0x280;
	[sflag:s29] =	ssyncadd.s32 $0xFFFFF830  }
0x3f: {  	[tilespmem:s16], [sflag:$0x2] =	stream.indirect.gather [hbm4b:s2+s13], $0x10, s15, s13, $0xb8;
	[tilespmem:$0xBF40] =	vst v63  }
0x40: {  	_ =	swait.ge [sflag:s31], $0x7D0  }
0x41: {  	[sflag:s31] =	ssyncset.done $0x0  }
0x42: {  	s15 =	simm.s32 $0x2980;
	[sflag:s31] =	ssyncadd.s32 $0xFFFFF830  }
0x43: {  	[spmem:s3] =	stream.indirect.scatter.add.f32 [tilespmem:s21], [sflag:$0x8], $0x10, s15, s13, $0xb8;
	[tilespmem:$0xBF40] =	vst v63  }
0x44: {  	_ =	swait.ge [sflag:s1], $0x7D0  }
0x45: {  	[sflag:s1] =	ssyncset.done $0x0  }
0x46: {  	s15 =	simm.s32 $0x300;
	[sflag:s1] =	ssyncadd.s32 $0xFFFFF830  }
0x47: {  	[tilespmem:s18], [sflag:$0x3] =	stream.indirect.gather [hbm4b:s2+s13], $0x10, s15, s13, $0xb8;
	[tilespmem:$0xBF40] =	vst v63  }
0x48: {  	_ =	swait.ge [sflag:s19], $0x7D0  }
0x49: {  	[sflag:s19] =	ssyncset.done $0x0  }
0x4a: {  	s15 =	simm.s32 $0x2A00;
	[sflag:s19] =	ssyncadd.s32 $0xFFFFF830  }
0x4b: {  	[spmem:s3] =	stream.indirect.scatter.add.f32 [tilespmem:s14], [sflag:$0x5], $0x10, s15, s13, $0xb8;
	[tilespmem:$0xBF40] =	vst v63  }
0x4c: {  	_ =	swait.ge [sflag:s10], $0x7D0  }
0x4d: {  	[sflag:s10] =	ssyncset.done $0x0  }
0x4e: {  	s15 =	simm.s32 $0x380;
	[sflag:s10] =	ssyncadd.s32 $0xFFFFF830  }
0x4f: {  	[tilespmem:s21], [sflag:$0x4] =	stream.indirect.gather [hbm4b:s2+s13], $0x10, s15, s13, $0xb8;
	[tilespmem:$0xBF40] =	vst v63  }
0x50: {  	_ =	swait.ge [sflag:s22], $0x7D0  }
0x51: {  	[sflag:s22] =	ssyncset.done $0x0  }
0x52: {  	s15 =	simm.s32 $0x2A80;
	[sflag:s22] =	ssyncadd.s32 $0xFFFFF830  }
0x53: {  	[spmem:s3] =	stream.indirect.scatter.add.f32 [tilespmem:s16], [sflag:$0x6], $0x10, s15, s13, $0xb8;
	[tilespmem:$0xBF40] =	vst v63  }
0x54: {  	_ =	swait.ge [sflag:s24], $0x7D0  }
0x55: {  	[sflag:s24] =	ssyncset.done $0x0  }
0x56: {  	s15 =	simm.s32 $0x400;
	[sflag:s24] =	ssyncadd.s32 $0xFFFFF830  }
0x57: {  	[tilespmem:s14], [sflag:$0x1] =	stream.indirect.gather [hbm4b:s2+s13], $0x10, s15, s13, $0xb8;
	[tilespmem:$0xBF40] =	vst v63  }
0x58: {  	_ =	swait.ge [sflag:s26], $0x7D0  }
0x59: {  	[sflag:s26] =	ssyncset.done $0x0  }
0x5a: {  	s15 =	simm.s32 $0x2B00;
	[sflag:s26] =	ssyncadd.s32 $0xFFFFF830  }
0x5b: {  	[spmem:s3] =	stream.indirect.scatter.add.f32 [tilespmem:s18], [sflag:$0x7], $0x10, s15, s13, $0xb8;
	[tilespmem:$0xBF40] =	vst v63  }
0x5c: {  	_ =	swait.ge [sflag:s29], $0x7D0  }
0x5d: {  	[sflag:s29] =	ssyncset.done $0x0  }
0x5e: {  	s15 =	simm.s32 $0x480;
	[sflag:s29] =	ssyncadd.s32 $0xFFFFF830  }
0x5f: {  	[tilespmem:s16], [sflag:$0x2] =	stream.indirect.gather [hbm4b:s2+s13], $0x10, s15, s13, $0xb8;
	[tilespmem:$0xBF40] =	vst v63  }
0x60: {  	_ =	swait.ge [sflag:s31], $0x7D0  }
0x61: {  	[sflag:s31] =	ssyncset.done $0x0  }
0x62: {  	s30 =	simm.s32 $0x800;
	s0 =	simm.s32 $0x2B80;
	[sflag:s31] =	ssyncadd.s32 $0xFFFFF830  }
.LBB2_4:
0x63: {  	[spmem:s3] =	stream.indirect.scatter.add.f32 [tilespmem:s21], [sflag:$0x8], $0x10, s0, s13, $0xb8;
	[tilespmem:$0xBF40] =	vst v63  }
0x64: {  	s0 =	smov.u32 s30  }
0x65: {  	p0 =	sne.s32 s30, $0x8800;
	s30 =	sadd.s32 $0x800, s30;
	_ =	swait.ge [sflag:s1], $0x7D0  }
0x66: {  	s0 =	sshra.s32 s0, $0x2;
	[sflag:s1] =	ssyncset.done $0x0  }
0x67: {  	s15 =	sadd.s32 $0x300, s0;
	[sflag:s1] =	ssyncadd.s32 $0xFFFFF830  }
0x68: {  	[tilespmem:s18], [sflag:$0x3] =	stream.indirect.gather [hbm4b:s2+s13], $0x10, s15, s13, $0xb8;
	[tilespmem:$0xBF40] =	vst v63  }
0x69: {  	_ =	swait.ge [sflag:s19], $0x7D0  }
0x6a: {  	[sflag:s19] =	ssyncset.done $0x0  }
0x6b: {  	s15 =	sadd.s32 $0x2A00, s0;
	[sflag:s19] =	ssyncadd.s32 $0xFFFFF830  }
0x6c: {  	[spmem:s3] =	stream.indirect.scatter.add.f32 [tilespmem:s14], [sflag:$0x5], $0x10, s15, s13, $0xb8;
	[tilespmem:$0xBF40] =	vst v63  }
0x6d: {  	_ =	swait.ge [sflag:s10], $0x7D0  }
0x6e: {  	[sflag:s10] =	ssyncset.done $0x0  }
0x6f: {  	s15 =	sadd.s32 $0x380, s0;
	[sflag:s10] =	ssyncadd.s32 $0xFFFFF830  }
0x70: {  	[tilespmem:s21], [sflag:$0x4] =	stream.indirect.gather [hbm4b:s2+s13], $0x10, s15, s13, $0xb8;
	[tilespmem:$0xBF40] =	vst v63  }
0x71: {  	_ =	swait.ge [sflag:s22], $0x7D0  }
0x72: {  	[sflag:s22] =	ssyncset.done $0x0  }
0x73: {  	s15 =	sadd.s32 $0x2A80, s0;
	[sflag:s22] =	ssyncadd.s32 $0xFFFFF830  }
0x74: {  	[spmem:s3] =	stream.indirect.scatter.add.f32 [tilespmem:s16], [sflag:$0x6], $0x10, s15, s13, $0xb8;
	[tilespmem:$0xBF40] =	vst v63  }
0x75: {  	_ =	swait.ge [sflag:s24], $0x7D0  }
0x76: {  	[sflag:s24] =	ssyncset.done $0x0  }
0x77: {  	s15 =	sadd.s32 $0x400, s0;
	[sflag:s24] =	ssyncadd.s32 $0xFFFFF830  }
0x78: {  	[tilespmem:s14], [sflag:$0x1] =	stream.indirect.gather [hbm4b:s2+s13], $0x10, s15, s13, $0xb8;
	[tilespmem:$0xBF40] =	vst v63  }
0x79: {  	_ =	swait.ge [sflag:s26], $0x7D0  }
0x7a: {  	[sflag:s26] =	ssyncset.done $0x0  }
0x7b: {  	s15 =	sadd.s32 $0x2B00, s0;
	[sflag:s26] =	ssyncadd.s32 $0xFFFFF830  }
0x7c: {  	[spmem:s3] =	stream.indirect.scatter.add.f32 [tilespmem:s18], [sflag:$0x7], $0x10, s15, s13, $0xb8;
	[tilespmem:$0xBF40] =	vst v63  }
0x7d: {  	_ =	swait.ge [sflag:s29], $0x7D0  }
0x7e: {  	[sflag:s29] =	ssyncset.done $0x0  }
.Ltmp1:
0x7f: {  	s15 =	sadd.s32 $0x480, s0;
	[sflag:s29] =	ssyncadd.s32 $0xFFFFF830;
	(pc) =	sbr.rel @p0 .LBB2_4-.Ltmp1, $4  }
0x80: {  	[tilespmem:s16], [sflag:$0x2] =	stream.indirect.gather [hbm4b:s2+s13], $0x10, s15, s13, $0xb8;
	[tilespmem:$0xBF40] =	vst v63  }
0x81: {  	_ =	swait.ge [sflag:s31], $0x7D0  }
0x82: {  	[sflag:s31] =	ssyncset.done $0x0  }
0x83: {  	s0 =	sadd.s32 $0x2B80, s0;
	[sflag:s31] =	ssyncadd.s32 $0xFFFFF830  }
0x84: {  	[spmem:s3] =	stream.indirect.scatter.add.f32 [tilespmem:s21], [sflag:$0x8], $0x10, s0, s13, $0xb8;
	[tilespmem:$0xBF40] =	vst v63  }
0x85: {  	_ =	swait.ge [sflag:s1], $0x7D0  }
0x86: {  	[sflag:s1] =	ssyncset.done $0x0  }
0x87: {  	s15 =	simm.s32 $0x2700;
	[sflag:s1] =	ssyncadd.s32 $0xFFFFF830  }
0x88: {  	[tilespmem:s18], [sflag:$0x3] =	stream.indirect.gather [hbm4b:s2+s13], $0x10, s15, s13, $0xb8;
	[tilespmem:$0xBF40] =	vst v63  }
0x89: {  	_ =	swait.ge [sflag:s19], $0x7D0  }
0x8a: {  	[sflag:s19] =	ssyncset.done $0x0  }
0x8b: {  	[sflag:s19] =	ssyncadd.s32 $0xFFFFF830  }
0x8c: {  	[spmem:s3] =	stream.indirect.scatter.add.f32 [tilespmem:s14], [sflag:$0x5], $0x10, s17, s13, $0xb8;
	[tilespmem:$0xBF40] =	vst v63  }
0x8d: {  	_ =	swait.ge [sflag:s10], $0x7D0  }
0x8e: {  	[sflag:s10] =	ssyncset.done $0x0  }
0x8f: {  	[sflag:s10] =	ssyncadd.s32 $0xFFFFF830  }
0x90: {  	[tilespmem:s21], [sflag:$0x4] =	stream.indirect.gather [hbm4b:s2+s13], $0x10, s20, s13, $0xb8;
	[tilespmem:$0xBF40] =	vst v63  }
0x91: {  	_ =	swait.ge [sflag:s22], $0x7D0  }
0x92: {  	[sflag:s22] =	ssyncset.done $0x0  }
0x93: {  	[sflag:s22] =	ssyncadd.s32 $0xFFFFF830  }
0x94: {  	[spmem:s3] =	stream.indirect.scatter.add.f32 [tilespmem:s16], [sflag:$0x6], $0x10, s23, s13, $0xb8;
	[tilespmem:$0xBF40] =	vst v63  }
0x95: {  	_ =	swait.ge [sflag:s24], $0x7D0  }
0x96: {  	[sflag:s24] =	ssyncset.done $0x0  }
0x97: {  	[sflag:s24] =	ssyncadd.s32 $0xFFFFF830  }
0x98: {  	_ =	swait.ge [sflag:s26], $0x7D0  }
0x99: {  	[sflag:s26] =	ssyncset.done $0x0  }
0x9a: {  	[sflag:s26] =	ssyncadd.s32 $0xFFFFF830  }
0x9b: {  	[spmem:s3] =	stream.indirect.scatter.add.f32 [tilespmem:s18], [sflag:$0x7], $0x10, s25, s13, $0xb8;
	[tilespmem:$0xBF40] =	vst v63  }
0x9c: {  	_ =	swait.ge [sflag:s29], $0x7D0  }
0x9d: {  	[sflag:s29] =	ssyncset.done $0x0  }
0x9e: {  	[sflag:s29] =	ssyncadd.s32 $0xFFFFF830  }
0x9f: {  	_ =	swait.ge [sflag:s31], $0x7D0  }
0xa0: {  	[sflag:s31] =	ssyncset.done $0x0  }
0xa1: {  	[sflag:s31] =	ssyncadd.s32 $0xFFFFF830  }
0xa2: {  	[spmem:s3] =	stream.indirect.scatter.add.f32 [tilespmem:s21], [sflag:$0x8], $0x10, s28, s13, $0xb8;
	[tilespmem:$0xBF40] =	vst v63  }
0xa3: {  	_ =	swait.ge [sflag:s1], $0x7D0  }
0xa4: {  	[sflag:s1] =	ssyncset.done $0x0  }
0xa5: {  	[sflag:s1] =	ssyncadd.s32 $0xFFFFF830  }
0xa6: {  	s30 =	stileid.u32;
	_ =	swait.ge [sflag:s10], $0x7D0  }
0xa7: {  	s4 =	sadd.s32 $0x1, s4;
	s0 =	sshll.u32 s30, $0x6;
	[sflag:s10] =	ssyncset.done $0x0  }
0xa8: {  	p0 =	sne.s32 s4, s9;
	s0 =	sor.u32 $0x1C09, s0;
	[sflag:s10] =	ssyncadd.s32 $0xFFFFF830  }
.Ltmp2:
0xa9: {  	s15 =	sshrl.u32 s5, $0x3;
	[bflag:$0x0] =	sbarrier.arrive $0xFFFF;
	(pc) =	sbr.rel @p0 .LBB2_1-.Ltmp2, $4  }
0xaa: {  	[hbm:s8], [sflag:s0] =	dma.local [spmem:s15], $0x500  }
0xab: {  	_ =	swait.ge [sflag:s11], $0x500  }
0xac: {  	[sflag:s11] =	ssyncset.done $0x0  }
0xad: {  	[sflag:s11] =	ssyncadd.s32 $0xFFFFFB00  }
0xae: {  	_ =	sfence.sel $0x180000  }
0xaf: {  	[bflag:$0x0] =	sbarrier.arrive $0xFFFF  }
0xb0: {  	_ =	strace $0x90000047  }
0xb1: {  	s0 =	stileid.u32;
	[bflag:$0x2] =	sbarrier.arrive $0xFFFF  }
0xb2: {  	p0 =	sne.s32 s0, $0x0;
	s0 =	rddreg [dreg:$0x3]  }
0xb3: {  	s0 =	sadd.s32 @!p0 $0x100000, s0  }
0xb4: {  	[sflag:s0] =	ssyncadd.tile.s32 @!p0 $0x1;
	_ =	shalt  }
.Lfunc_end2:
_tile_overlayer_lowered:
.L_overlay_start_2:
0xb5: {  	(tag) =	ssettag $0x2  }
0xb6: {  	s0 =	rddreg [dreg:$0x0];
	s2 =	stileid.u32  }
0xb7: {  	s1 =	rddreg [dreg:$0x1];
	p0 =	sne.s32 s2, $0x0  }
0xb8: {  	s3 =	rddreg [dreg:$0x2];
	[bflag:$0x3] =	sbarrier.arrive $0xFFFF;
	s2 =	simm.s32 @!p0 $0x1C09  }
0xb9: {  	[timem:s3], [sflag:s2] =	dma.local @!p0 [hbm:s0], s1  }
0xba: {  	s0 =	simm.s32 @!p0 $0x9  }
0xbb: {  	_ =	swait.ge @!p0 [sflag:s0], s1  }
0xbc: {  	s1 =	ssub.s32 @!p0 $0x0, s1;
	[sflag:s0] =	ssyncset.done @!p0 $0x0  }
0xbd: {  	[sflag:s0] =	ssyncadd.s32 @!p0 s1  }
0xbe: {  	[bflag:$0x3] =	sbarrier.arrive $0xFFFF  }
0xbf: {  	_ =	shalt  }

</sc_bundles>
